<compile_context>
chip_gen: v7x
topology: tpu7x:2x2x1
jax: 0.10.2.dev20260603
libtpu: 0.0.44.dev20260713+nightly
codegen_flags: <defaults>
</compile_context>

<pallas_src>
import functools
import jax
import jax.numpy as jnp
from jax import lax
from jax.experimental import pallas as pl
from jax.experimental.pallas import tpu as pltpu
from jax.experimental.pallas import tpu_sc as plsc

_N = 5000
_NP = 5120
_CH = 256
_NCH = _NP // _CH
_M = 1024
_TOPN = 1000
_OUTP = 128
_OUT = 100
_SCORE_T = 0.05
_NMS_T = 0.6
_D = 128


def _rank_kernel(srow_ref, scol_ref, idx2_ref, out_ref):
    f32 = jnp.float32
    ir_m = lax.broadcasted_iota(jnp.int32, (1, _M), 1)
    ir_np = lax.broadcasted_iota(jnp.int32, (1, _NP), 1)
    ones_np = jnp.ones((_NP, 1), f32)
    s_row = srow_ref[...]
    cand_row = jnp.where(s_row > _SCORE_T, s_row, 0.0)
    cand_row = jnp.where(ir_np < _N, cand_row, -1.0)
    ir_m_f = ir_m.astype(f32)

    acc = jnp.zeros((_M, 2), f32)
    for k in range(_NCH):
        off = k * _CH
        s_col = scol_ref[off:off + _CH, :]
        idx_col = lax.broadcasted_iota(jnp.int32, (_CH, 1), 0) + off
        cand_col = jnp.where(s_col > _SCORE_T, s_col, 0.0)
        cand_col = jnp.where(idx_col < _N, cand_col, -1.0)
        better = (cand_row > cand_col) | (
            (cand_row == cand_col) & (ir_np < idx_col))
        rank = lax.dot_general(better.astype(f32), ones_np,
                               (((1,), (0,)), ((), ())),
                               preferred_element_type=f32)
        oh = (rank == ir_m_f).astype(f32)
        iv = idx2_ref[off:off + _CH, :]
        acc = acc + lax.dot_general(oh, iv, (((0,), (0,)), ((), ())),
                                    preferred_element_type=f32)
    out_ref[...] = acc


def _sc_gather(vals16, idx):
    info = plsc.get_sparse_core_info()
    nw = info.num_cores * info.num_subcores
    bpw = _M // nw
    mesh = plsc.VectorSubcoreMesh(core_axis_name="c", subcore_axis_name="s")

    @functools.partial(
        pl.kernel, mesh=mesh,
        out_type=jax.ShapeDtypeStruct((_M, _D), jnp.float32),
        scratch_types=[
            pltpu.VMEM((bpw,), jnp.int32),
            pltpu.VMEM((bpw, _D), jnp.float32),
            pltpu.SemaphoreType.DMA,
        ],
    )
    def k(vals_hbm, idx_hbm, out_hbm, idx_v, rows_v, sem):
        wid = lax.axis_index("s") * info.num_cores + lax.axis_index("c")
        base = wid * bpw
        pltpu.sync_copy(idx_hbm.at[pl.ds(base, bpw)], idx_v)
        pltpu.async_copy(vals_hbm.at[idx_v], rows_v, sem).wait()
        pltpu.sync_copy(rows_v, out_hbm.at[pl.ds(base, bpw)])

    return k(vals16, idx)


def _nms_kernel(sorted_ref, ident_ref, out_ref):
    f32 = jnp.float32
    ir_m = lax.broadcasted_iota(jnp.int32, (1, _M), 1)
    ic_m = lax.broadcasted_iota(jnp.int32, (_M, 1), 0)
    ones_m = jnp.ones((_M, 1), f32)
    valid_c = (ic_m < _TOPN).astype(f32)
    valid_r = (ir_m < _TOPN).astype(f32)
    ident = ident_ref[...]
    sv_m = sorted_ref[...] * valid_c
    def trunc16(v):
        bits = jax.lax.bitcast_convert_type(v, jnp.int32)
        return jax.lax.bitcast_convert_type(
            bits & jnp.int32(-65536), f32)

    hi = trunc16(sv_m)
    r = sv_m - hi
    mid = trunc16(r)
    lo = r - mid
    sv48 = jnp.concatenate([hi, mid, lo], axis=1)
    svT48 = lax.dot_general(sv48, ident, (((0,), (0,)), ((), ())),
                            preferred_element_type=f32)
    svT_m = svT48[0:_D, :] + svT48[_D:2 * _D, :] + svT48[2 * _D:, :]

    x1c, y1c = sv_m[:, 0:1], sv_m[:, 1:2]
    x2c, y2c = sv_m[:, 2:3], sv_m[:, 3:4]
    x1r, y1r = svT_m[0:1, :], svT_m[1:2, :]
    x2r, y2r = svT_m[2:3, :], svT_m[3:4, :]
    ix1 = jnp.maximum(x1c, x1r)
    iy1 = jnp.maximum(y1c, y1r)
    ix2 = jnp.minimum(x2c, x2r)
    iy2 = jnp.minimum(y2c, y2r)
    iw = jnp.clip(ix2 - ix1, 0.0)
    ih = jnp.clip(iy2 - iy1, 0.0)
    inter = iw * ih
    area_c = (x2c - x1c) * (y2c - y1c)
    area_r = (x2r - x1r) * (y2r - y1r)
    union = area_c + area_r - inter
    iou = inter / jnp.maximum(union, 1e-9)
    supS = ((iou > _NMS_T) & (ic_m < ir_m)).astype(f32)

    def t_op(x):
        hits = lax.dot_general(supS, x, (((0,), (0,)), ((), ())),
                               preferred_element_type=f32)
        return valid_c * (hits == 0).astype(f32)

    def nms_cond(c):
        x_old, x = c
        return jnp.any(x_old != x)

    def nms_body(c):
        _, x = c
        return x, t_op(x)

    _, keep_col = lax.while_loop(nms_cond, nms_body, (valid_c, t_op(valid_c)))
    keep = lax.dot_general(keep_col, ident, (((0,), (0,)), ((), ())),
                           preferred_element_type=f32)

    ts_col = sv_m[:, 4:5]
    ts_col = ts_col * (ts_col > _SCORE_T).astype(f32)
    ts_row = svT_m[4:5, :]
    ts_row = ts_row * (ts_row > _SCORE_T).astype(f32)
    ks_col = ts_col * keep_col - (1.0 - valid_c)
    ks_row = ts_row * keep - (1.0 - valid_r)
    gtf = (ks_row > ks_col).astype(f32)
    eqf = ((ks_row == ks_col) & (ir_m < ic_m)).astype(f32)
    frank = lax.dot_general(gtf + eqf, ones_m, (((1,), (0,)), ((), ())),
                            preferred_element_type=f32)
    ir_k = lax.broadcasted_iota(jnp.int32, (1, _OUTP), 1).astype(f32)
    ohf = (frank == ir_k).astype(f32)
    col16 = lax.broadcasted_iota(jnp.int32, (1, _D), 1)
    xmat = sv_m * (col16 < 4).astype(f32) \
        + (ts_col * keep_col) * (col16 == 4).astype(f32)
    out_ref[...] = lax.dot_general(ohf, xmat, (((0,), (0,)), ((), ())),
                                   preferred_element_type=f32,
                                   precision=lax.Precision.HIGHEST)


@jax.jit
def kernel(boxes, scores):
    s = scores.astype(jnp.float32)
    b = boxes.astype(jnp.float32)
    s_pad = jnp.full((_NP,), -1.0, jnp.float32).at[:_N].set(s)
    vals16 = jnp.zeros((_NP, _D), jnp.float32)
    vals16 = vals16.at[:_N, :4].set(b).at[:_N, 4].set(s)
    i_np = jnp.arange(_NP, dtype=jnp.int32)
    idx2 = jnp.stack([((i_np // 256) * 256).astype(jnp.float32),
                      (i_np % 256).astype(jnp.float32)], axis=1)
    idx2_s = pl.pallas_call(
        _rank_kernel,
        out_shape=jax.ShapeDtypeStruct((_M, 2), jnp.float32),
    )(s_pad.reshape(1, _NP), s_pad.reshape(_NP, 1), idx2)
    idx = (idx2_s[:, 0] + idx2_s[:, 1]).astype(jnp.int32)
    sorted16 = _sc_gather(vals16, idx)
    iota = jnp.arange(_M, dtype=jnp.int32)
    ident = (iota[:, None] == iota[None, :]).astype(jnp.float32)
    out = pl.pallas_call(
        _nms_kernel,
        out_shape=jax.ShapeDtypeStruct((_OUTP, _D), jnp.float32),
    )(sorted16, ident)
    return out[:_OUT, :5]

# --- scband reference (transcript-rebuilt; emitter-appended) ---
"""Pipeline reference for scband-onnx-fcos-66786741453354 (READ-ONLY COPY).

The authoritative reference and input builder live on the scoring server;
editing this copy changes nothing except your own understanding.
"""

import jax, jax.numpy as jnp
import numpy as np

PRE_NMS_TOP_N = 1000
NMS_THRESH = 0.6
POST_NMS_TOP_N = 100
SCORE_THRESH = 0.05


def setup_inputs(seed: int = 0) -> dict:
    key = jax.random.key(seed)
    k1, k2, k3 = jax.random.split(key, 3)
    # well-formed xyxy boxes (x1<x2, y1<y2) on a ~1024px canvas
    xy = jax.random.uniform(k1, (5000, 2), minval=0.0, maxval=1024.0)
    wh = jax.random.uniform(k2, (5000, 2), minval=4.0, maxval=128.0)
    boxes = jnp.concatenate([xy, xy + wh], axis=1).astype(jnp.float32)
    scores = jax.random.uniform(k3, (5000,), dtype=jnp.float32)
    return {"boxes": boxes, "scores": scores}


def _pairwise_iou(a, b):
    area_a = (a[:, 2] - a[:, 0]) * (a[:, 3] - a[:, 1])
    area_b = (b[:, 2] - b[:, 0]) * (b[:, 3] - b[:, 1])
    lt = jnp.maximum(a[:, None, :2], b[None, :, :2])
    rb = jnp.minimum(a[:, None, 2:], b[None, :, 2:])
    wh = jnp.clip(rb - lt, 0.0)
    inter = wh[..., 0] * wh[..., 1]
    union = area_a[:, None] + area_b[None, :] - inter
    return inter / jnp.maximum(union, 1e-9)


def _nms_keep(iou, thresh):
    n = iou.shape[0]
    ar = jnp.arange(n)

    def body(i, keep):
        suppress = (iou[i] > thresh) & (ar > i) & keep[i]
        return keep & (~suppress)

    return jax.lax.fori_loop(0, n, body, jnp.ones((n,), dtype=bool))


def reference(boxes, scores):
    # FCOS-style detection postprocess: score threshold -> pre-NMS top-k ->
    # greedy hard NMS (pairwise IoU matrix) -> post-NMS top-k.
    cand = scores * (scores > SCORE_THRESH).astype(scores.dtype)
    top_scores, idx = jax.lax.top_k(cand, PRE_NMS_TOP_N)
    top_boxes = jnp.take(boxes, idx, axis=0)
    iou = _pairwise_iou(top_boxes, top_boxes)
    keep = jax.lax.stop_gradient(_nms_keep(jax.lax.stop_gradient(iou), NMS_THRESH))
    kept_scores = top_scores * keep.astype(top_scores.dtype)
    final_scores, fidx = jax.lax.top_k(kept_scores, POST_NMS_TOP_N)
    final_boxes = jnp.take(top_boxes, fidx, axis=0)
    return jnp.concatenate([final_boxes, final_scores[:, None]], axis=1)

if __name__ == "__main__":
    import jax
    _d = setup_inputs()
    print(jax.jit(kernel)(*tuple(_d.values())))

</pallas_src>

<mosaic_0001>
#map = affine_map<(d0, d1) -> (0, 0)>
#map1 = affine_map<(d0, d1) -> (0)>
module attributes {stable_mosaic.version = 14 : i64} {
  func.func @k(%arg0: i32, %arg1: i32, %arg2: memref<5120x128xf32, #tpu.memory_space<hbm>>, %arg3: memref<1024xi32, #tpu.memory_space<hbm>>, %arg4: memref<1024x128xf32, #tpu.memory_space<hbm>>, %arg5: memref<32xi32, #tpu.memory_space<vmem>>, %arg6: memref<32x128xf32, #tpu.memory_space<vmem>>, %arg7: memref<!tpu.dma_semaphore, #tpu.memory_space<semaphore_mem>>) attributes {dimension_semantics = [#tpu.dimension_semantics<core_parallel>, #tpu.dimension_semantics<subcore_parallel>], iteration_bounds = array<i64: 2, 16>, scalar_prefetch = 0 : i64, scratch_operands = 3 : i64, tpu.core_type = #tpu.core_type<sc_vector_subcore>, window_params = [{transform_indices = #map}, {transform_indices = #map1}, {transform_indices = #map}]} {
    %mul3A = arith.constant 2 : i32
    %mul3A_0 = arith.muli %arg1, %mul3A : i32
    %add3A = arith.addi %mul3A_0, %arg0 : i32
    %mul3A_1 = arith.constant 32 : i32
    %mul3A_2 = arith.muli %add3A, %mul3A_1 : i32
    "tpu.region"() ({
      %run_scoped3A = tpu.sem_alloc : memref<!tpu.dma_semaphore, #tpu.memory_space<semaphore_mem>>
      %dma_start3A_7 = tpu.memref_slice %arg3[%mul3A_2] : memref<1024xi32, #tpu.memory_space<hbm>> -> memref<32xi32, #tpu.memory_space<hbm>>
      %dma_start3A_8 = tpu.memref_slice %arg3[%mul3A_2] : memref<1024xi32, #tpu.memory_space<hbm>> -> memref<32xi32, #tpu.memory_space<hbm>>
      tpu.enqueue_dma source(%dma_start3A_8 : memref<32xi32, #tpu.memory_space<hbm>>) target(%arg5 : memref<32xi32, #tpu.memory_space<vmem>>) target_semaphore(%run_scoped3A : memref<!tpu.dma_semaphore, #tpu.memory_space<semaphore_mem>>)
      %dma_wait3A_9 = tpu.memref_slice %arg3[%mul3A_2] : memref<1024xi32, #tpu.memory_space<hbm>> -> memref<32xi32, #tpu.memory_space<hbm>>
      %dma_wait3A_10 = tpu.memref_slice %arg3[%mul3A_2] : memref<1024xi32, #tpu.memory_space<hbm>> -> memref<32xi32, #tpu.memory_space<hbm>>
      tpu.wait_dma2 semaphore(%run_scoped3A : memref<!tpu.dma_semaphore, #tpu.memory_space<semaphore_mem>>) src(%dma_wait3A_10 : memref<32xi32, #tpu.memory_space<hbm>>) dst(%arg5 : memref<32xi32, #tpu.memory_space<vmem>>)
      tpu.yield
    }) : () -> ()
    %dma_start3A = arith.constant 0 : i32
    %dma_start3A_3 = arith.constant 0 : i32
    %dma_start3A_4 = tpu.memref_slice %arg2[%dma_start3A, %dma_start3A_3] : memref<5120x128xf32, #tpu.memory_space<hbm>> -> memref<5120x128xf32, #tpu.memory_space<hbm>>
    tpu.enqueue_indirect_dma source(%dma_start3A_4 : memref<5120x128xf32, #tpu.memory_space<hbm>>) target(%arg6 : memref<32x128xf32, #tpu.memory_space<vmem>>) offsets(%arg5 : memref<32xi32, #tpu.memory_space<vmem>>) semaphore(%arg7 : memref<!tpu.dma_semaphore, #tpu.memory_space<semaphore_mem>>)
    %dma_wait3A = arith.constant 0 : i32
    %dma_wait3A_5 = arith.constant 0 : i32
    %dma_wait3A_6 = tpu.memref_slice %arg2[%dma_wait3A, %dma_wait3A_5] : memref<5120x128xf32, #tpu.memory_space<hbm>> -> memref<5120x128xf32, #tpu.memory_space<hbm>>
    tpu.wait_indirect_dma semaphore(%arg7 : memref<!tpu.dma_semaphore, #tpu.memory_space<semaphore_mem>>) src(%dma_wait3A_6 : memref<5120x128xf32, #tpu.memory_space<hbm>>) dst(%arg6 : memref<32x128xf32, #tpu.memory_space<vmem>>)
    "tpu.region"() ({
      %run_scoped3A = tpu.sem_alloc : memref<!tpu.dma_semaphore, #tpu.memory_space<semaphore_mem>>
      %dma_start3A_7 = arith.constant 0 : i32
      %dma_start3A_8 = tpu.memref_slice %arg4[%mul3A_2, %dma_start3A_7] : memref<1024x128xf32, #tpu.memory_space<hbm>> -> memref<32x128xf32, #tpu.memory_space<hbm>>
      %dma_start3A_9 = arith.constant 0 : i32
      %dma_start3A_10 = tpu.memref_slice %arg4[%mul3A_2, %dma_start3A_9] : memref<1024x128xf32, #tpu.memory_space<hbm>> -> memref<32x128xf32, #tpu.memory_space<hbm>>
      tpu.enqueue_dma source(%arg6 : memref<32x128xf32, #tpu.memory_space<vmem>>) target(%dma_start3A_10 : memref<32x128xf32, #tpu.memory_space<hbm>>) target_semaphore(%run_scoped3A : memref<!tpu.dma_semaphore, #tpu.memory_space<semaphore_mem>>)
      %dma_wait3A_11 = arith.constant 0 : i32
      %dma_wait3A_12 = tpu.memref_slice %arg4[%mul3A_2, %dma_wait3A_11] : memref<1024x128xf32, #tpu.memory_space<hbm>> -> memref<32x128xf32, #tpu.memory_space<hbm>>
      %dma_wait3A_13 = arith.constant 0 : i32
      %dma_wait3A_14 = tpu.memref_slice %arg4[%mul3A_2, %dma_wait3A_13] : memref<1024x128xf32, #tpu.memory_space<hbm>> -> memref<32x128xf32, #tpu.memory_space<hbm>>
      tpu.wait_dma2 semaphore(%run_scoped3A : memref<!tpu.dma_semaphore, #tpu.memory_space<semaphore_mem>>) src(%arg6 : memref<32x128xf32, #tpu.memory_space<vmem>>) dst(%dma_wait3A_14 : memref<32x128xf32, #tpu.memory_space<hbm>>)
      tpu.yield
    }) : () -> ()
    return
  }
}

module attributes {stable_mosaic.version = 14 : i64} {
  func.func @_rank_kernel(%arg0: memref<1x5120xf32, #tpu.memory_space<vmem>>, %arg1: memref<5120x1xf32, #tpu.memory_space<vmem>>, %arg2: memref<5120x2xf32, #tpu.memory_space<vmem>>, %arg3: memref<1024x2xf32, #tpu.memory_space<vmem>>) attributes {dimension_semantics = [], scalar_prefetch = 0 : i64, scratch_operands = 0 : i64, tpu.core_type = #tpu.core_type<tc>} {
    %iota3A = tpu.iota {dimensions = array<i32: 1>} : vector<1x1024xi32>
    %iota3A_0 = tpu.iota {dimensions = array<i32: 1>} : vector<1x5120xi32>
    %broadcast_in_dim3A = arith.constant 1.000000e+00 : f32
    %broadcast_in_dim3A_1 = vector.broadcast %broadcast_in_dim3A : f32 to vector<5120x1xf32>
    %get3A = arith.constant 0 : index
    %get3A_2 = arith.constant 0 : index
    %get3A_3 = vector.load %arg0[%get3A, %get3A_2] : memref<1x5120xf32, #tpu.memory_space<vmem>>, vector<1x5120xf32>
    %gt3A = arith.constant 5.000000e-02 : f32
    %gt3A_4 = vector.broadcast %gt3A : f32 to vector<1x5120xf32>
    %gt3A_5 = arith.cmpf ogt, %get3A_3, %gt3A_4 : vector<1x5120xf32>
    %jit3A = arith.constant 0.000000e+00 : f32
    %broadcast_in_dim3A_6 = vector.broadcast %jit3A : f32 to vector<1x5120xf32>
    %select_n3A = arith.select %gt3A_5, %get3A_3, %broadcast_in_dim3A_6 : vector<1x5120xi1>, vector<1x5120xf32>
    %lt3A = arith.constant 5000 : i32
    %lt3A_7 = vector.broadcast %lt3A : i32 to vector<1x5120xi32>
    %lt3A_8 = arith.cmpi slt, %iota3A_0, %lt3A_7 : vector<1x5120xi32>
    %jit3A_9 = arith.constant -1.000000e+00 : f32
    %broadcast_in_dim3A_10 = vector.broadcast %jit3A_9 : f32 to vector<1x5120xf32>
    %select_n3A_11 = arith.select %lt3A_8, %select_n3A, %broadcast_in_dim3A_10 : vector<1x5120xi1>, vector<1x5120xf32>
    %convert_element_type3A = arith.sitofp %iota3A : vector<1x1024xi32> to vector<1x1024xf32>
    %broadcast_in_dim3A_12 = arith.constant 0.000000e+00 : f32
    %broadcast_in_dim3A_13 = vector.broadcast %broadcast_in_dim3A_12 : f32 to vector<1024x2xf32>
    %get3A_14 = arith.constant 0 : index
    %get3A_15 = arith.constant 0 : index
    %get3A_16 = vector.load %arg1[%get3A_14, %get3A_15] : memref<5120x1xf32, #tpu.memory_space<vmem>>, vector<256x1xf32>
    %iota3A_17 = tpu.iota {dimensions = array<i32: 0>} : vector<256x1xi32>
    %add3A = arith.constant 0 : i32
    %add3A_18 = vector.broadcast %add3A : i32 to vector<256x1xi32>
    %add3A_19 = arith.addi %iota3A_17, %add3A_18 : vector<256x1xi32>
    %gt3A_20 = arith.constant 5.000000e-02 : f32
    %gt3A_21 = vector.broadcast %gt3A_20 : f32 to vector<256x1xf32>
    %gt3A_22 = arith.cmpf ogt, %get3A_16, %gt3A_21 : vector<256x1xf32>
    %jit3A_23 = arith.constant 0.000000e+00 : f32
    %broadcast_in_dim3A_24 = vector.broadcast %jit3A_23 : f32 to vector<256x1xf32>
    %select_n3A_25 = arith.select %gt3A_22, %get3A_16, %broadcast_in_dim3A_24 : vector<256x1xi1>, vector<256x1xf32>
    %lt3A_26 = arith.constant 5000 : i32
    %lt3A_27 = vector.broadcast %lt3A_26 : i32 to vector<256x1xi32>
    %lt3A_28 = arith.cmpi slt, %add3A_19, %lt3A_27 : vector<256x1xi32>
    %jit3A_29 = arith.constant -1.000000e+00 : f32
    %broadcast_in_dim3A_30 = vector.broadcast %jit3A_29 : f32 to vector<256x1xf32>
    %select_n3A_31 = arith.select %lt3A_28, %select_n3A_25, %broadcast_in_dim3A_30 : vector<256x1xi1>, vector<256x1xf32>
    %gt3A_32 = vector.broadcast %select_n3A_11 : vector<1x5120xf32> to vector<256x5120xf32>
    %gt3A_33 = vector.broadcast %select_n3A_31 : vector<256x1xf32> to vector<256x5120xf32>
    %gt3A_34 = arith.cmpf ogt, %gt3A_32, %gt3A_33 : vector<256x5120xf32>
    %eq3A = vector.broadcast %select_n3A_11 : vector<1x5120xf32> to vector<256x5120xf32>
    %eq3A_35 = vector.broadcast %select_n3A_31 : vector<256x1xf32> to vector<256x5120xf32>
    %eq3A_36 = arith.cmpf oeq, %eq3A, %eq3A_35 : vector<256x5120xf32>
    %lt3A_37 = vector.broadcast %iota3A_0 : vector<1x5120xi32> to vector<256x5120xi32>
    %lt3A_38 = vector.broadcast %add3A_19 : vector<256x1xi32> to vector<256x5120xi32>
    %lt3A_39 = arith.cmpi slt, %lt3A_37, %lt3A_38 : vector<256x5120xi32>
    %and3A = arith.andi %eq3A_36, %lt3A_39 : vector<256x5120xi1>
    %or3A = arith.ori %gt3A_34, %and3A : vector<256x5120xi1>
    %convert_element_type3A_40 = arith.extui %or3A : vector<256x5120xi1> to vector<256x5120xi32>
    %convert_element_type3A_41 = arith.sitofp %convert_element_type3A_40 : vector<256x5120xi32> to vector<256x5120xf32>
    %dot_general3A = arith.constant dense<0.000000e+00> : vector<256x1xf32>
    %dot_general3A_42 = tpu.matmul %convert_element_type3A_41, %broadcast_in_dim3A_1, %dot_general3A {dimension_numbers = #tpu.dot_dimension_numbers<[1], [0], [0], [1], [0, 0, 1, 1], [], []>, transpose_lhs_hint = false} : vector<256x5120xf32>, vector<5120x1xf32>, vector<256x1xf32> -> vector<256x1xf32>
    %eq3A_43 = vector.broadcast %dot_general3A_42 : vector<256x1xf32> to vector<256x1024xf32>
    %eq3A_44 = vector.broadcast %convert_element_type3A : vector<1x1024xf32> to vector<256x1024xf32>
    %eq3A_45 = arith.cmpf oeq, %eq3A_43, %eq3A_44 : vector<256x1024xf32>
    %convert_element_type3A_46 = arith.extui %eq3A_45 : vector<256x1024xi1> to vector<256x1024xi32>
    %convert_element_type3A_47 = arith.sitofp %convert_element_type3A_46 : vector<256x1024xi32> to vector<256x1024xf32>
    %get3A_48 = arith.constant 0 : index
    %get3A_49 = arith.constant 0 : index
    %get3A_50 = vector.load %arg2[%get3A_48, %get3A_49] : memref<5120x2xf32, #tpu.memory_space<vmem>>, vector<256x2xf32>
    %dot_general3A_51 = arith.constant dense<0.000000e+00> : vector<1024x2xf32>
    %dot_general3A_52 = tpu.matmul %convert_element_type3A_47, %get3A_50, %dot_general3A_51 {dimension_numbers = #tpu.dot_dimension_numbers<[0], [0], [1], [1], [0, 1, 1, 1], [], []>, transpose_lhs_hint = false} : vector<256x1024xf32>, vector<256x2xf32>, vector<1024x2xf32> -> vector<1024x2xf32>
    %add3A_53 = arith.addf %broadcast_in_dim3A_13, %dot_general3A_52 : vector<1024x2xf32>
    %get3A_54 = arith.constant 256 : index
    %get3A_55 = arith.constant 0 : index
    %get3A_56 = vector.load %arg1[%get3A_54, %get3A_55] : memref<5120x1xf32, #tpu.memory_space<vmem>>, vector<256x1xf32>
    %iota3A_57 = tpu.iota {dimensions = array<i32: 0>} : vector<256x1xi32>
    %add3A_58 = arith.constant 256 : i32
    %add3A_59 = vector.broadcast %add3A_58 : i32 to vector<256x1xi32>
    %add3A_60 = arith.addi %iota3A_57, %add3A_59 : vector<256x1xi32>
    %gt3A_61 = arith.constant 5.000000e-02 : f32
    %gt3A_62 = vector.broadcast %gt3A_61 : f32 to vector<256x1xf32>
    %gt3A_63 = arith.cmpf ogt, %get3A_56, %gt3A_62 : vector<256x1xf32>
    %jit3A_64 = arith.constant 0.000000e+00 : f32
    %broadcast_in_dim3A_65 = vector.broadcast %jit3A_64 : f32 to vector<256x1xf32>
    %select_n3A_66 = arith.select %gt3A_63, %get3A_56, %broadcast_in_dim3A_65 : vector<256x1xi1>, vector<256x1xf32>
    %lt3A_67 = arith.constant 5000 : i32
    %lt3A_68 = vector.broadcast %lt3A_67 : i32 to vector<256x1xi32>
    %lt3A_69 = arith.cmpi slt, %add3A_60, %lt3A_68 : vector<256x1xi32>
    %jit3A_70 = arith.constant -1.000000e+00 : f32
    %broadcast_in_dim3A_71 = vector.broadcast %jit3A_70 : f32 to vector<256x1xf32>
    %select_n3A_72 = arith.select %lt3A_69, %select_n3A_66, %broadcast_in_dim3A_71 : vector<256x1xi1>, vector<256x1xf32>
    %gt3A_73 = vector.broadcast %select_n3A_11 : vector<1x5120xf32> to vector<256x5120xf32>
    %gt3A_74 = vector.broadcast %select_n3A_72 : vector<256x1xf32> to vector<256x5120xf32>
    %gt3A_75 = arith.cmpf ogt, %gt3A_73, %gt3A_74 : vector<256x5120xf32>
    %eq3A_76 = vector.broadcast %select_n3A_11 : vector<1x5120xf32> to vector<256x5120xf32>
    %eq3A_77 = vector.broadcast %select_n3A_72 : vector<256x1xf32> to vector<256x5120xf32>
    %eq3A_78 = arith.cmpf oeq, %eq3A_76, %eq3A_77 : vector<256x5120xf32>
    %lt3A_79 = vector.broadcast %iota3A_0 : vector<1x5120xi32> to vector<256x5120xi32>
    %lt3A_80 = vector.broadcast %add3A_60 : vector<256x1xi32> to vector<256x5120xi32>
    %lt3A_81 = arith.cmpi slt, %lt3A_79, %lt3A_80 : vector<256x5120xi32>
    %and3A_82 = arith.andi %eq3A_78, %lt3A_81 : vector<256x5120xi1>
    %or3A_83 = arith.ori %gt3A_75, %and3A_82 : vector<256x5120xi1>
    %convert_element_type3A_84 = arith.extui %or3A_83 : vector<256x5120xi1> to vector<256x5120xi32>
    %convert_element_type3A_85 = arith.sitofp %convert_element_type3A_84 : vector<256x5120xi32> to vector<256x5120xf32>
    %dot_general3A_86 = arith.constant dense<0.000000e+00> : vector<256x1xf32>
    %dot_general3A_87 = tpu.matmul %convert_element_type3A_85, %broadcast_in_dim3A_1, %dot_general3A_86 {dimension_numbers = #tpu.dot_dimension_numbers<[1], [0], [0], [1], [0, 0, 1, 1], [], []>, transpose_lhs_hint = false} : vector<256x5120xf32>, vector<5120x1xf32>, vector<256x1xf32> -> vector<256x1xf32>
    %eq3A_88 = vector.broadcast %dot_general3A_87 : vector<256x1xf32> to vector<256x1024xf32>
    %eq3A_89 = vector.broadcast %convert_element_type3A : vector<1x1024xf32> to vector<256x1024xf32>
    %eq3A_90 = arith.cmpf oeq, %eq3A_88, %eq3A_89 : vector<256x1024xf32>
    %convert_element_type3A_91 = arith.extui %eq3A_90 : vector<256x1024xi1> to vector<256x1024xi32>
    %convert_element_type3A_92 = arith.sitofp %convert_element_type3A_91 : vector<256x1024xi32> to vector<256x1024xf32>
    %get3A_93 = arith.constant 256 : index
    %get3A_94 = arith.constant 0 : index
    %get3A_95 = vector.load %arg2[%get3A_93, %get3A_94] : memref<5120x2xf32, #tpu.memory_space<vmem>>, vector<256x2xf32>
    %dot_general3A_96 = arith.constant dense<0.000000e+00> : vector<1024x2xf32>
    %dot_general3A_97 = tpu.matmul %convert_element_type3A_92, %get3A_95, %dot_general3A_96 {dimension_numbers = #tpu.dot_dimension_numbers<[0], [0], [1], [1], [0, 1, 1, 1], [], []>, transpose_lhs_hint = false} : vector<256x1024xf32>, vector<256x2xf32>, vector<1024x2xf32> -> vector<1024x2xf32>
    %add3A_98 = arith.addf %add3A_53, %dot_general3A_97 : vector<1024x2xf32>
    %get3A_99 = arith.constant 512 : index
    %get3A_100 = arith.constant 0 : index
    %get3A_101 = vector.load %arg1[%get3A_99, %get3A_100] : memref<5120x1xf32, #tpu.memory_space<vmem>>, vector<256x1xf32>
    %iota3A_102 = tpu.iota {dimensions = array<i32: 0>} : vector<256x1xi32>
    %add3A_103 = arith.constant 512 : i32
    %add3A_104 = vector.broadcast %add3A_103 : i32 to vector<256x1xi32>
    %add3A_105 = arith.addi %iota3A_102, %add3A_104 : vector<256x1xi32>
    %gt3A_106 = arith.constant 5.000000e-02 : f32
    %gt3A_107 = vector.broadcast %gt3A_106 : f32 to vector<256x1xf32>
    %gt3A_108 = arith.cmpf ogt, %get3A_101, %gt3A_107 : vector<256x1xf32>
    %jit3A_109 = arith.constant 0.000000e+00 : f32
    %broadcast_in_dim3A_110 = vector.broadcast %jit3A_109 : f32 to vector<256x1xf32>
    %select_n3A_111 = arith.select %gt3A_108, %get3A_101, %broadcast_in_dim3A_110 : vector<256x1xi1>, vector<256x1xf32>
    %lt3A_112 = arith.constant 5000 : i32
    %lt3A_113 = vector.broadcast %lt3A_112 : i32 to vector<256x1xi32>
    %lt3A_114 = arith.cmpi slt, %add3A_105, %lt3A_113 : vector<256x1xi32>
    %jit3A_115 = arith.constant -1.000000e+00 : f32
    %broadcast_in_dim3A_116 = vector.broadcast %jit3A_115 : f32 to vector<256x1xf32>
    %select_n3A_117 = arith.select %lt3A_114, %select_n3A_111, %broadcast_in_dim3A_116 : vector<256x1xi1>, vector<256x1xf32>
    %gt3A_118 = vector.broadcast %select_n3A_11 : vector<1x5120xf32> to vector<256x5120xf32>
    %gt3A_119 = vector.broadcast %select_n3A_117 : vector<256x1xf32> to vector<256x5120xf32>
    %gt3A_120 = arith.cmpf ogt, %gt3A_118, %gt3A_119 : vector<256x5120xf32>
    %eq3A_121 = vector.broadcast %select_n3A_11 : vector<1x5120xf32> to vector<256x5120xf32>
    %eq3A_122 = vector.broadcast %select_n3A_117 : vector<256x1xf32> to vector<256x5120xf32>
    %eq3A_123 = arith.cmpf oeq, %eq3A_121, %eq3A_122 : vector<256x5120xf32>
    %lt3A_124 = vector.broadcast %iota3A_0 : vector<1x5120xi32> to vector<256x5120xi32>
    %lt3A_125 = vector.broadcast %add3A_105 : vector<256x1xi32> to vector<256x5120xi32>
    %lt3A_126 = arith.cmpi slt, %lt3A_124, %lt3A_125 : vector<256x5120xi32>
    %and3A_127 = arith.andi %eq3A_123, %lt3A_126 : vector<256x5120xi1>
    %or3A_128 = arith.ori %gt3A_120, %and3A_127 : vector<256x5120xi1>
    %convert_element_type3A_129 = arith.extui %or3A_128 : vector<256x5120xi1> to vector<256x5120xi32>
    %convert_element_type3A_130 = arith.sitofp %convert_element_type3A_129 : vector<256x5120xi32> to vector<256x5120xf32>
    %dot_general3A_131 = arith.constant dense<0.000000e+00> : vector<256x1xf32>
    %dot_general3A_132 = tpu.matmul %convert_element_type3A_130, %broadcast_in_dim3A_1, %dot_general3A_131 {dimension_numbers = #tpu.dot_dimension_numbers<[1], [0], [0], [1], [0, 0, 1, 1], [], []>, transpose_lhs_hint = false} : vector<256x5120xf32>, vector<5120x1xf32>, vector<256x1xf32> -> vector<256x1xf32>
    %eq3A_133 = vector.broadcast %dot_general3A_132 : vector<256x1xf32> to vector<256x1024xf32>
    %eq3A_134 = vector.broadcast %convert_element_type3A : vector<1x1024xf32> to vector<256x1024xf32>
    %eq3A_135 = arith.cmpf oeq, %eq3A_133, %eq3A_134 : vector<256x1024xf32>
    %convert_element_type3A_136 = arith.extui %eq3A_135 : vector<256x1024xi1> to vector<256x1024xi32>
    %convert_element_type3A_137 = arith.sitofp %convert_element_type3A_136 : vector<256x1024xi32> to vector<256x1024xf32>
    %get3A_138 = arith.constant 512 : index
    %get3A_139 = arith.constant 0 : index
    %get3A_140 = vector.load %arg2[%get3A_138, %get3A_139] : memref<5120x2xf32, #tpu.memory_space<vmem>>, vector<256x2xf32>
    %dot_general3A_141 = arith.constant dense<0.000000e+00> : vector<1024x2xf32>
    %dot_general3A_142 = tpu.matmul %convert_element_type3A_137, %get3A_140, %dot_general3A_141 {dimension_numbers = #tpu.dot_dimension_numbers<[0], [0], [1], [1], [0, 1, 1, 1], [], []>, transpose_lhs_hint = false} : vector<256x1024xf32>, vector<256x2xf32>, vector<1024x2xf32> -> vector<1024x2xf32>
    %add3A_143 = arith.addf %add3A_98, %dot_general3A_142 : vector<1024x2xf32>
    %get3A_144 = arith.constant 768 : index
    %get3A_145 = arith.constant 0 : index
    %get3A_146 = vector.load %arg1[%get3A_144, %get3A_145] : memref<5120x1xf32, #tpu.memory_space<vmem>>, vector<256x1xf32>
    %iota3A_147 = tpu.iota {dimensions = array<i32: 0>} : vector<256x1xi32>
    %add3A_148 = arith.constant 768 : i32
    %add3A_149 = vector.broadcast %add3A_148 : i32 to vector<256x1xi32>
    %add3A_150 = arith.addi %iota3A_147, %add3A_149 : vector<256x1xi32>
    %gt3A_151 = arith.constant 5.000000e-02 : f32
    %gt3A_152 = vector.broadcast %gt3A_151 : f32 to vector<256x1xf32>
    %gt3A_153 = arith.cmpf ogt, %get3A_146, %gt3A_152 : vector<256x1xf32>
    %jit3A_154 = arith.constant 0.000000e+00 : f32
    %broadcast_in_dim3A_155 = vector.broadcast %jit3A_154 : f32 to vector<256x1xf32>
    %select_n3A_156 = arith.select %gt3A_153, %get3A_146, %broadcast_in_dim3A_155 : vector<256x1xi1>, vector<256x1xf32>
    %lt3A_157 = arith.constant 5000 : i32
    %lt3A_158 = vector.broadcast %lt3A_157 : i32 to vector<256x1xi32>
    %lt3A_159 = arith.cmpi slt, %add3A_150, %lt3A_158 : vector<256x1xi32>
    %jit3A_160 = arith.constant -1.000000e+00 : f32
    %broadcast_in_dim3A_161 = vector.broadcast %jit3A_160 : f32 to vector<256x1xf32>
    %select_n3A_162 = arith.select %lt3A_159, %select_n3A_156, %broadcast_in_dim3A_161 : vector<256x1xi1>, vector<256x1xf32>
    %gt3A_163 = vector.broadcast %select_n3A_11 : vector<1x5120xf32> to vector<256x5120xf32>
    %gt3A_164 = vector.broadcast %select_n3A_162 : vector<256x1xf32> to vector<256x5120xf32>
    %gt3A_165 = arith.cmpf ogt, %gt3A_163, %gt3A_164 : vector<256x5120xf32>
    %eq3A_166 = vector.broadcast %select_n3A_11 : vector<1x5120xf32> to vector<256x5120xf32>
    %eq3A_167 = vector.broadcast %select_n3A_162 : vector<256x1xf32> to vector<256x5120xf32>
    %eq3A_168 = arith.cmpf oeq, %eq3A_166, %eq3A_167 : vector<256x5120xf32>
    %lt3A_169 = vector.broadcast %iota3A_0 : vector<1x5120xi32> to vector<256x5120xi32>
    %lt3A_170 = vector.broadcast %add3A_150 : vector<256x1xi32> to vector<256x5120xi32>
    %lt3A_171 = arith.cmpi slt, %lt3A_169, %lt3A_170 : vector<256x5120xi32>
    %and3A_172 = arith.andi %eq3A_168, %lt3A_171 : vector<256x5120xi1>
    %or3A_173 = arith.ori %gt3A_165, %and3A_172 : vector<256x5120xi1>
    %convert_element_type3A_174 = arith.extui %or3A_173 : vector<256x5120xi1> to vector<256x5120xi32>
    %convert_element_type3A_175 = arith.sitofp %convert_element_type3A_174 : vector<256x5120xi32> to vector<256x5120xf32>
    %dot_general3A_176 = arith.constant dense<0.000000e+00> : vector<256x1xf32>
    %dot_general3A_177 = tpu.matmul %convert_element_type3A_175, %broadcast_in_dim3A_1, %dot_general3A_176 {dimension_numbers = #tpu.dot_dimension_numbers<[1], [0], [0], [1], [0, 0, 1, 1], [], []>, transpose_lhs_hint = false} : vector<256x5120xf32>, vector<5120x1xf32>, vector<256x1xf32> -> vector<256x1xf32>
    %eq3A_178 = vector.broadcast %dot_general3A_177 : vector<256x1xf32> to vector<256x1024xf32>
    %eq3A_179 = vector.broadcast %convert_element_type3A : vector<1x1024xf32> to vector<256x1024xf32>
    %eq3A_180 = arith.cmpf oeq, %eq3A_178, %eq3A_179 : vector<256x1024xf32>
    %convert_element_type3A_181 = arith.extui %eq3A_180 : vector<256x1024xi1> to vector<256x1024xi32>
    %convert_element_type3A_182 = arith.sitofp %convert_element_type3A_181 : vector<256x1024xi32> to vector<256x1024xf32>
    %get3A_183 = arith.constant 768 : index
    %get3A_184 = arith.constant 0 : index
    %get3A_185 = vector.load %arg2[%get3A_183, %get3A_184] : memref<5120x2xf32, #tpu.memory_space<vmem>>, vector<256x2xf32>
    %dot_general3A_186 = arith.constant dense<0.000000e+00> : vector<1024x2xf32>
    %dot_general3A_187 = tpu.matmul %convert_element_type3A_182, %get3A_185, %dot_general3A_186 {dimension_numbers = #tpu.dot_dimension_numbers<[0], [0], [1], [1], [0, 1, 1, 1], [], []>, transpose_lhs_hint = false} : vector<256x1024xf32>, vector<256x2xf32>, vector<1024x2xf32> -> vector<1024x2xf32>
    %add3A_188 = arith.addf %add3A_143, %dot_general3A_187 : vector<1024x2xf32>
    %get3A_189 = arith.constant 1024 : index
    %get3A_190 = arith.constant 0 : index
    %get3A_191 = vector.load %arg1[%get3A_189, %get3A_190] : memref<5120x1xf32, #tpu.memory_space<vmem>>, vector<256x1xf32>
    %iota3A_192 = tpu.iota {dimensions = array<i32: 0>} : vector<256x1xi32>
    %add3A_193 = arith.constant 1024 : i32
    %add3A_194 = vector.broadcast %add3A_193 : i32 to vector<256x1xi32>
    %add3A_195 = arith.addi %iota3A_192, %add3A_194 : vector<256x1xi32>
    %gt3A_196 = arith.constant 5.000000e-02 : f32
    %gt3A_197 = vector.broadcast %gt3A_196 : f32 to vector<256x1xf32>
    %gt3A_198 = arith.cmpf ogt, %get3A_191, %gt3A_197 : vector<256x1xf32>
    %jit3A_199 = arith.constant 0.000000e+00 : f32
    %broadcast_in_dim3A_200 = vector.broadcast %jit3A_199 : f32 to vector<256x1xf32>
    %select_n3A_201 = arith.select %gt3A_198, %get3A_191, %broadcast_in_dim3A_200 : vector<256x1xi1>, vector<256x1xf32>
    %lt3A_202 = arith.constant 5000 : i32
    %lt3A_203 = vector.broadcast %lt3A_202 : i32 to vector<256x1xi32>
    %lt3A_204 = arith.cmpi slt, %add3A_195, %lt3A_203 : vector<256x1xi32>
    %jit3A_205 = arith.constant -1.000000e+00 : f32
    %broadcast_in_dim3A_206 = vector.broadcast %jit3A_205 : f32 to vector<256x1xf32>
    %select_n3A_207 = arith.select %lt3A_204, %select_n3A_201, %broadcast_in_dim3A_206 : vector<256x1xi1>, vector<256x1xf32>
    %gt3A_208 = vector.broadcast %select_n3A_11 : vector<1x5120xf32> to vector<256x5120xf32>
    %gt3A_209 = vector.broadcast %select_n3A_207 : vector<256x1xf32> to vector<256x5120xf32>
    %gt3A_210 = arith.cmpf ogt, %gt3A_208, %gt3A_209 : vector<256x5120xf32>
    %eq3A_211 = vector.broadcast %select_n3A_11 : vector<1x5120xf32> to vector<256x5120xf32>
    %eq3A_212 = vector.broadcast %select_n3A_207 : vector<256x1xf32> to vector<256x5120xf32>
    %eq3A_213 = arith.cmpf oeq, %eq3A_211, %eq3A_212 : vector<256x5120xf32>
    %lt3A_214 = vector.broadcast %iota3A_0 : vector<1x5120xi32> to vector<256x5120xi32>
    %lt3A_215 = vector.broadcast %add3A_195 : vector<256x1xi32> to vector<256x5120xi32>
    %lt3A_216 = arith.cmpi slt, %lt3A_214, %lt3A_215 : vector<256x5120xi32>
    %and3A_217 = arith.andi %eq3A_213, %lt3A_216 : vector<256x5120xi1>
    %or3A_218 = arith.ori %gt3A_210, %and3A_217 : vector<256x5120xi1>
    %convert_element_type3A_219 = arith.extui %or3A_218 : vector<256x5120xi1> to vector<256x5120xi32>
    %convert_element_type3A_220 = arith.sitofp %convert_element_type3A_219 : vector<256x5120xi32> to vector<256x5120xf32>
    %dot_general3A_221 = arith.constant dense<0.000000e+00> : vector<256x1xf32>
    %dot_general3A_222 = tpu.matmul %convert_element_type3A_220, %broadcast_in_dim3A_1, %dot_general3A_221 {dimension_numbers = #tpu.dot_dimension_numbers<[1], [0], [0], [1], [0, 0, 1, 1], [], []>, transpose_lhs_hint = false} : vector<256x5120xf32>, vector<5120x1xf32>, vector<256x1xf32> -> vector<256x1xf32>
    %eq3A_223 = vector.broadcast %dot_general3A_222 : vector<256x1xf32> to vector<256x1024xf32>
    %eq3A_224 = vector.broadcast %convert_element_type3A : vector<1x1024xf32> to vector<256x1024xf32>
    %eq3A_225 = arith.cmpf oeq, %eq3A_223, %eq3A_224 : vector<256x1024xf32>
    %convert_element_type3A_226 = arith.extui %eq3A_225 : vector<256x1024xi1> to vector<256x1024xi32>
    %convert_element_type3A_227 = arith.sitofp %convert_element_type3A_226 : vector<256x1024xi32> to vector<256x1024xf32>
    %get3A_228 = arith.constant 1024 : index
    %get3A_229 = arith.constant 0 : index
    %get3A_230 = vector.load %arg2[%get3A_228, %get3A_229] : memref<5120x2xf32, #tpu.memory_space<vmem>>, vector<256x2xf32>
    %dot_general3A_231 = arith.constant dense<0.000000e+00> : vector<1024x2xf32>
    %dot_general3A_232 = tpu.matmul %convert_element_type3A_227, %get3A_230, %dot_general3A_231 {dimension_numbers = #tpu.dot_dimension_numbers<[0], [0], [1], [1], [0, 1, 1, 1], [], []>, transpose_lhs_hint = false} : vector<256x1024xf32>, vector<256x2xf32>, vector<1024x2xf32> -> vector<1024x2xf32>
    %add3A_233 = arith.addf %add3A_188, %dot_general3A_232 : vector<1024x2xf32>
    %get3A_234 = arith.constant 1280 : index
    %get3A_235 = arith.constant 0 : index
    %get3A_236 = vector.load %arg1[%get3A_234, %get3A_235] : memref<5120x1xf32, #tpu.memory_space<vmem>>, vector<256x1xf32>
    %iota3A_237 = tpu.iota {dimensions = array<i32: 0>} : vector<256x1xi32>
    %add3A_238 = arith.constant 1280 : i32
    %add3A_239 = vector.broadcast %add3A_238 : i32 to vector<256x1xi32>
    %add3A_240 = arith.addi %iota3A_237, %add3A_239 : vector<256x1xi32>
    %gt3A_241 = arith.constant 5.000000e-02 : f32
    %gt3A_242 = vector.broadcast %gt3A_241 : f32 to vector<256x1xf32>
    %gt3A_243 = arith.cmpf ogt, %get3A_236, %gt3A_242 : vector<256x1xf32>
    %jit3A_244 = arith.constant 0.000000e+00 : f32
    %broadcast_in_dim3A_245 = vector.broadcast %jit3A_244 : f32 to vector<256x1xf32>
    %select_n3A_246 = arith.select %gt3A_243, %get3A_236, %broadcast_in_dim3A_245 : vector<256x1xi1>, vector<256x1xf32>
    %lt3A_247 = arith.constant 5000 : i32
    %lt3A_248 = vector.broadcast %lt3A_247 : i32 to vector<256x1xi32>
    %lt3A_249 = arith.cmpi slt, %add3A_240, %lt3A_248 : vector<256x1xi32>
    %jit3A_250 = arith.constant -1.000000e+00 : f32
    %broadcast_in_dim3A_251 = vector.broadcast %jit3A_250 : f32 to vector<256x1xf32>
    %select_n3A_252 = arith.select %lt3A_249, %select_n3A_246, %broadcast_in_dim3A_251 : vector<256x1xi1>, vector<256x1xf32>
    %gt3A_253 = vector.broadcast %select_n3A_11 : vector<1x5120xf32> to vector<256x5120xf32>
    %gt3A_254 = vector.broadcast %select_n3A_252 : vector<256x1xf32> to vector<256x5120xf32>
    %gt3A_255 = arith.cmpf ogt, %gt3A_253, %gt3A_254 : vector<256x5120xf32>
    %eq3A_256 = vector.broadcast %select_n3A_11 : vector<1x5120xf32> to vector<256x5120xf32>
    %eq3A_257 = vector.broadcast %select_n3A_252 : vector<256x1xf32> to vector<256x5120xf32>
    %eq3A_258 = arith.cmpf oeq, %eq3A_256, %eq3A_257 : vector<256x5120xf32>
    %lt3A_259 = vector.broadcast %iota3A_0 : vector<1x5120xi32> to vector<256x5120xi32>
    %lt3A_260 = vector.broadcast %add3A_240 : vector<256x1xi32> to vector<256x5120xi32>
    %lt3A_261 = arith.cmpi slt, %lt3A_259, %lt3A_260 : vector<256x5120xi32>
    %and3A_262 = arith.andi %eq3A_258, %lt3A_261 : vector<256x5120xi1>
    %or3A_263 = arith.ori %gt3A_255, %and3A_262 : vector<256x5120xi1>
    %convert_element_type3A_264 = arith.extui %or3A_263 : vector<256x5120xi1> to vector<256x5120xi32>
    %convert_element_type3A_265 = arith.sitofp %convert_element_type3A_264 : vector<256x5120xi32> to vector<256x5120xf32>
    %dot_general3A_266 = arith.constant dense<0.000000e+00> : vector<256x1xf32>
    %dot_general3A_267 = tpu.matmul %convert_element_type3A_265, %broadcast_in_dim3A_1, %dot_general3A_266 {dimension_numbers = #tpu.dot_dimension_numbers<[1], [0], [0], [1], [0, 0, 1, 1], [], []>, transpose_lhs_hint = false} : vector<256x5120xf32>, vector<5120x1xf32>, vector<256x1xf32> -> vector<256x1xf32>
    %eq3A_268 = vector.broadcast %dot_general3A_267 : vector<256x1xf32> to vector<256x1024xf32>
    %eq3A_269 = vector.broadcast %convert_element_type3A : vector<1x1024xf32> to vector<256x1024xf32>
    %eq3A_270 = arith.cmpf oeq, %eq3A_268, %eq3A_269 : vector<256x1024xf32>
    %convert_element_type3A_271 = arith.extui %eq3A_270 : vector<256x1024xi1> to vector<256x1024xi32>
    %convert_element_type3A_272 = arith.sitofp %convert_element_type3A_271 : vector<256x1024xi32> to vector<256x1024xf32>
    %get3A_273 = arith.constant 1280 : index
    %get3A_274 = arith.constant 0 : index
    %get3A_275 = vector.load %arg2[%get3A_273, %get3A_274] : memref<5120x2xf32, #tpu.memory_space<vmem>>, vector<256x2xf32>
    %dot_general3A_276 = arith.constant dense<0.000000e+00> : vector<1024x2xf32>
    %dot_general3A_277 = tpu.matmul %convert_element_type3A_272, %get3A_275, %dot_general3A_276 {dimension_numbers = #tpu.dot_dimension_numbers<[0], [0], [1], [1], [0, 1, 1, 1], [], []>, transpose_lhs_hint = false} : vector<256x1024xf32>, vector<256x2xf32>, vector<1024x2xf32> -> vector<1024x2xf32>
    %add3A_278 = arith.addf %add3A_233, %dot_general3A_277 : vector<1024x2xf32>
    %get3A_279 = arith.constant 1536 : index
    %get3A_280 = arith.constant 0 : index
    %get3A_281 = vector.load %arg1[%get3A_279, %get3A_280] : memref<5120x1xf32, #tpu.memory_space<vmem>>, vector<256x1xf32>
    %iota3A_282 = tpu.iota {dimensions = array<i32: 0>} : vector<256x1xi32>
    %add3A_283 = arith.constant 1536 : i32
    %add3A_284 = vector.broadcast %add3A_283 : i32 to vector<256x1xi32>
    %add3A_285 = arith.addi %iota3A_282, %add3A_284 : vector<256x1xi32>
    %gt3A_286 = arith.constant 5.000000e-02 : f32
    %gt3A_287 = vector.broadcast %gt3A_286 : f32 to vector<256x1xf32>
    %gt3A_288 = arith.cmpf ogt, %get3A_281, %gt3A_287 : vector<256x1xf32>
    %jit3A_289 = arith.constant 0.000000e+00 : f32
    %broadcast_in_dim3A_290 = vector.broadcast %jit3A_289 : f32 to vector<256x1xf32>
    %select_n3A_291 = arith.select %gt3A_288, %get3A_281, %broadcast_in_dim3A_290 : vector<256x1xi1>, vector<256x1xf32>
    %lt3A_292 = arith.constant 5000 : i32
    %lt3A_293 = vector.broadcast %lt3A_292 : i32 to vector<256x1xi32>
    %lt3A_294 = arith.cmpi slt, %add3A_285, %lt3A_293 : vector<256x1xi32>
    %jit3A_295 = arith.constant -1.000000e+00 : f32
    %broadcast_in_dim3A_296 = vector.broadcast %jit3A_295 : f32 to vector<256x1xf32>
    %select_n3A_297 = arith.select %lt3A_294, %select_n3A_291, %broadcast_in_dim3A_296 : vector<256x1xi1>, vector<256x1xf32>
    %gt3A_298 = vector.broadcast %select_n3A_11 : vector<1x5120xf32> to vector<256x5120xf32>
    %gt3A_299 = vector.broadcast %select_n3A_297 : vector<256x1xf32> to vector<256x5120xf32>
    %gt3A_300 = arith.cmpf ogt, %gt3A_298, %gt3A_299 : vector<256x5120xf32>
    %eq3A_301 = vector.broadcast %select_n3A_11 : vector<1x5120xf32> to vector<256x5120xf32>
    %eq3A_302 = vector.broadcast %select_n3A_297 : vector<256x1xf32> to vector<256x5120xf32>
    %eq3A_303 = arith.cmpf oeq, %eq3A_301, %eq3A_302 : vector<256x5120xf32>
    %lt3A_304 = vector.broadcast %iota3A_0 : vector<1x5120xi32> to vector<256x5120xi32>
    %lt3A_305 = vector.broadcast %add3A_285 : vector<256x1xi32> to vector<256x5120xi32>
    %lt3A_306 = arith.cmpi slt, %lt3A_304, %lt3A_305 : vector<256x5120xi32>
    %and3A_307 = arith.andi %eq3A_303, %lt3A_306 : vector<256x5120xi1>
    %or3A_308 = arith.ori %gt3A_300, %and3A_307 : vector<256x5120xi1>
    %convert_element_type3A_309 = arith.extui %or3A_308 : vector<256x5120xi1> to vector<256x5120xi32>
    %convert_element_type3A_310 = arith.sitofp %convert_element_type3A_309 : vector<256x5120xi32> to vector<256x5120xf32>
    %dot_general3A_311 = arith.constant dense<0.000000e+00> : vector<256x1xf32>
    %dot_general3A_312 = tpu.matmul %convert_element_type3A_310, %broadcast_in_dim3A_1, %dot_general3A_311 {dimension_numbers = #tpu.dot_dimension_numbers<[1], [0], [0], [1], [0, 0, 1, 1], [], []>, transpose_lhs_hint = false} : vector<256x5120xf32>, vector<5120x1xf32>, vector<256x1xf32> -> vector<256x1xf32>
    %eq3A_313 = vector.broadcast %dot_general3A_312 : vector<256x1xf32> to vector<256x1024xf32>
    %eq3A_314 = vector.broadcast %convert_element_type3A : vector<1x1024xf32> to vector<256x1024xf32>
    %eq3A_315 = arith.cmpf oeq, %eq3A_313, %eq3A_314 : vector<256x1024xf32>
    %convert_element_type3A_316 = arith.extui %eq3A_315 : vector<256x1024xi1> to vector<256x1024xi32>
    %convert_element_type3A_317 = arith.sitofp %convert_element_type3A_316 : vector<256x1024xi32> to vector<256x1024xf32>
    %get3A_318 = arith.constant 1536 : index
    %get3A_319 = arith.constant 0 : index
    %get3A_320 = vector.load %arg2[%get3A_318, %get3A_319] : memref<5120x2xf32, #tpu.memory_space<vmem>>, vector<256x2xf32>
    %dot_general3A_321 = arith.constant dense<0.000000e+00> : vector<1024x2xf32>
    %dot_general3A_322 = tpu.matmul %convert_element_type3A_317, %get3A_320, %dot_general3A_321 {dimension_numbers = #tpu.dot_dimension_numbers<[0], [0], [1], [1], [0, 1, 1, 1], [], []>, transpose_lhs_hint = false} : vector<256x1024xf32>, vector<256x2xf32>, vector<1024x2xf32> -> vector<1024x2xf32>
    %add3A_323 = arith.addf %add3A_278, %dot_general3A_322 : vector<1024x2xf32>
    %get3A_324 = arith.constant 1792 : index
    %get3A_325 = arith.constant 0 : index
    %get3A_326 = vector.load %arg1[%get3A_324, %get3A_325] : memref<5120x1xf32, #tpu.memory_space<vmem>>, vector<256x1xf32>
    %iota3A_327 = tpu.iota {dimensions = array<i32: 0>} : vector<256x1xi32>
    %add3A_328 = arith.constant 1792 : i32
    %add3A_329 = vector.broadcast %add3A_328 : i32 to vector<256x1xi32>
    %add3A_330 = arith.addi %iota3A_327, %add3A_329 : vector<256x1xi32>
    %gt3A_331 = arith.constant 5.000000e-02 : f32
    %gt3A_332 = vector.broadcast %gt3A_331 : f32 to vector<256x1xf32>
    %gt3A_333 = arith.cmpf ogt, %get3A_326, %gt3A_332 : vector<256x1xf32>
    %jit3A_334 = arith.constant 0.000000e+00 : f32
    %broadcast_in_dim3A_335 = vector.broadcast %jit3A_334 : f32 to vector<256x1xf32>
    %select_n3A_336 = arith.select %gt3A_333, %get3A_326, %broadcast_in_dim3A_335 : vector<256x1xi1>, vector<256x1xf32>
    %lt3A_337 = arith.constant 5000 : i32
    %lt3A_338 = vector.broadcast %lt3A_337 : i32 to vector<256x1xi32>
    %lt3A_339 = arith.cmpi slt, %add3A_330, %lt3A_338 : vector<256x1xi32>
    %jit3A_340 = arith.constant -1.000000e+00 : f32
    %broadcast_in_dim3A_341 = vector.broadcast %jit3A_340 : f32 to vector<256x1xf32>
    %select_n3A_342 = arith.select %lt3A_339, %select_n3A_336, %broadcast_in_dim3A_341 : vector<256x1xi1>, vector<256x1xf32>
    %gt3A_343 = vector.broadcast %select_n3A_11 : vector<1x5120xf32> to vector<256x5120xf32>
    %gt3A_344 = vector.broadcast %select_n3A_342 : vector<256x1xf32> to vector<256x5120xf32>
    %gt3A_345 = arith.cmpf ogt, %gt3A_343, %gt3A_344 : vector<256x5120xf32>
    %eq3A_346 = vector.broadcast %select_n3A_11 : vector<1x5120xf32> to vector<256x5120xf32>
    %eq3A_347 = vector.broadcast %select_n3A_342 : vector<256x1xf32> to vector<256x5120xf32>
    %eq3A_348 = arith.cmpf oeq, %eq3A_346, %eq3A_347 : vector<256x5120xf32>
    %lt3A_349 = vector.broadcast %iota3A_0 : vector<1x5120xi32> to vector<256x5120xi32>
    %lt3A_350 = vector.broadcast %add3A_330 : vector<256x1xi32> to vector<256x5120xi32>
    %lt3A_351 = arith.cmpi slt, %lt3A_349, %lt3A_350 : vector<256x5120xi32>
    %and3A_352 = arith.andi %eq3A_348, %lt3A_351 : vector<256x5120xi1>
    %or3A_353 = arith.ori %gt3A_345, %and3A_352 : vector<256x5120xi1>
    %convert_element_type3A_354 = arith.extui %or3A_353 : vector<256x5120xi1> to vector<256x5120xi32>
    %convert_element_type3A_355 = arith.sitofp %convert_element_type3A_354 : vector<256x5120xi32> to vector<256x5120xf32>
    %dot_general3A_356 = arith.constant dense<0.000000e+00> : vector<256x1xf32>
    %dot_general3A_357 = tpu.matmul %convert_element_type3A_355, %broadcast_in_dim3A_1, %dot_general3A_356 {dimension_numbers = #tpu.dot_dimension_numbers<[1], [0], [0], [1], [0, 0, 1, 1], [], []>, transpose_lhs_hint = false} : vector<256x5120xf32>, vector<5120x1xf32>, vector<256x1xf32> -> vector<256x1xf32>
    %eq3A_358 = vector.broadcast %dot_general3A_357 : vector<256x1xf32> to vector<256x1024xf32>
    %eq3A_359 = vector.broadcast %convert_element_type3A : vector<1x1024xf32> to vector<256x1024xf32>
    %eq3A_360 = arith.cmpf oeq, %eq3A_358, %eq3A_359 : vector<256x1024xf32>
    %convert_element_type3A_361 = arith.extui %eq3A_360 : vector<256x1024xi1> to vector<256x1024xi32>
    %convert_element_type3A_362 = arith.sitofp %convert_element_type3A_361 : vector<256x1024xi32> to vector<256x1024xf32>
    %get3A_363 = arith.constant 1792 : index
    %get3A_364 = arith.constant 0 : index
    %get3A_365 = vector.load %arg2[%get3A_363, %get3A_364] : memref<5120x2xf32, #tpu.memory_space<vmem>>, vector<256x2xf32>
    %dot_general3A_366 = arith.constant dense<0.000000e+00> : vector<1024x2xf32>
    %dot_general3A_367 = tpu.matmul %convert_element_type3A_362, %get3A_365, %dot_general3A_366 {dimension_numbers = #tpu.dot_dimension_numbers<[0], [0], [1], [1], [0, 1, 1, 1], [], []>, transpose_lhs_hint = false} : vector<256x1024xf32>, vector<256x2xf32>, vector<1024x2xf32> -> vector<1024x2xf32>
    %add3A_368 = arith.addf %add3A_323, %dot_general3A_367 : vector<1024x2xf32>
    %get3A_369 = arith.constant 2048 : index
    %get3A_370 = arith.constant 0 : index
    %get3A_371 = vector.load %arg1[%get3A_369, %get3A_370] : memref<5120x1xf32, #tpu.memory_space<vmem>>, vector<256x1xf32>
    %iota3A_372 = tpu.iota {dimensions = array<i32: 0>} : vector<256x1xi32>
    %add3A_373 = arith.constant 2048 : i32
    %add3A_374 = vector.broadcast %add3A_373 : i32 to vector<256x1xi32>
    %add3A_375 = arith.addi %iota3A_372, %add3A_374 : vector<256x1xi32>
    %gt3A_376 = arith.constant 5.000000e-02 : f32
    %gt3A_377 = vector.broadcast %gt3A_376 : f32 to vector<256x1xf32>
    %gt3A_378 = arith.cmpf ogt, %get3A_371, %gt3A_377 : vector<256x1xf32>
    %jit3A_379 = arith.constant 0.000000e+00 : f32
    %broadcast_in_dim3A_380 = vector.broadcast %jit3A_379 : f32 to vector<256x1xf32>
    %select_n3A_381 = arith.select %gt3A_378, %get3A_371, %broadcast_in_dim3A_380 : vector<256x1xi1>, vector<256x1xf32>
    %lt3A_382 = arith.constant 5000 : i32
    %lt3A_383 = vector.broadcast %lt3A_382 : i32 to vector<256x1xi32>
    %lt3A_384 = arith.cmpi slt, %add3A_375, %lt3A_383 : vector<256x1xi32>
    %jit3A_385 = arith.constant -1.000000e+00 : f32
    %broadcast_in_dim3A_386 = vector.broadcast %jit3A_385 : f32 to vector<256x1xf32>
    %select_n3A_387 = arith.select %lt3A_384, %select_n3A_381, %broadcast_in_dim3A_386 : vector<256x1xi1>, vector<256x1xf32>
    %gt3A_388 = vector.broadcast %select_n3A_11 : vector<1x5120xf32> to vector<256x5120xf32>
    %gt3A_389 = vector.broadcast %select_n3A_387 : vector<256x1xf32> to vector<256x5120xf32>
    %gt3A_390 = arith.cmpf ogt, %gt3A_388, %gt3A_389 : vector<256x5120xf32>
    %eq3A_391 = vector.broadcast %select_n3A_11 : vector<1x5120xf32> to vector<256x5120xf32>
    %eq3A_392 = vector.broadcast %select_n3A_387 : vector<256x1xf32> to vector<256x5120xf32>
    %eq3A_393 = arith.cmpf oeq, %eq3A_391, %eq3A_392 : vector<256x5120xf32>
    %lt3A_394 = vector.broadcast %iota3A_0 : vector<1x5120xi32> to vector<256x5120xi32>
    %lt3A_395 = vector.broadcast %add3A_375 : vector<256x1xi32> to vector<256x5120xi32>
    %lt3A_396 = arith.cmpi slt, %lt3A_394, %lt3A_395 : vector<256x5120xi32>
    %and3A_397 = arith.andi %eq3A_393, %lt3A_396 : vector<256x5120xi1>
    %or3A_398 = arith.ori %gt3A_390, %and3A_397 : vector<256x5120xi1>
    %convert_element_type3A_399 = arith.extui %or3A_398 : vector<256x5120xi1> to vector<256x5120xi32>
    %convert_element_type3A_400 = arith.sitofp %convert_element_type3A_399 : vector<256x5120xi32> to vector<256x5120xf32>
    %dot_general3A_401 = arith.constant dense<0.000000e+00> : vector<256x1xf32>
    %dot_general3A_402 = tpu.matmul %convert_element_type3A_400, %broadcast_in_dim3A_1, %dot_general3A_401 {dimension_numbers = #tpu.dot_dimension_numbers<[1], [0], [0], [1], [0, 0, 1, 1], [], []>, transpose_lhs_hint = false} : vector<256x5120xf32>, vector<5120x1xf32>, vector<256x1xf32> -> vector<256x1xf32>
    %eq3A_403 = vector.broadcast %dot_general3A_402 : vector<256x1xf32> to vector<256x1024xf32>
    %eq3A_404 = vector.broadcast %convert_element_type3A : vector<1x1024xf32> to vector<256x1024xf32>
    %eq3A_405 = arith.cmpf oeq, %eq3A_403, %eq3A_404 : vector<256x1024xf32>
    %convert_element_type3A_406 = arith.extui %eq3A_405 : vector<256x1024xi1> to vector<256x1024xi32>
    %convert_element_type3A_407 = arith.sitofp %convert_element_type3A_406 : vector<256x1024xi32> to vector<256x1024xf32>
    %get3A_408 = arith.constant 2048 : index
    %get3A_409 = arith.constant 0 : index
    %get3A_410 = vector.load %arg2[%get3A_408, %get3A_409] : memref<5120x2xf32, #tpu.memory_space<vmem>>, vector<256x2xf32>
    %dot_general3A_411 = arith.constant dense<0.000000e+00> : vector<1024x2xf32>
    %dot_general3A_412 = tpu.matmul %convert_element_type3A_407, %get3A_410, %dot_general3A_411 {dimension_numbers = #tpu.dot_dimension_numbers<[0], [0], [1], [1], [0, 1, 1, 1], [], []>, transpose_lhs_hint = false} : vector<256x1024xf32>, vector<256x2xf32>, vector<1024x2xf32> -> vector<1024x2xf32>
    %add3A_413 = arith.addf %add3A_368, %dot_general3A_412 : vector<1024x2xf32>
    %get3A_414 = arith.constant 2304 : index
    %get3A_415 = arith.constant 0 : index
    %get3A_416 = vector.load %arg1[%get3A_414, %get3A_415] : memref<5120x1xf32, #tpu.memory_space<vmem>>, vector<256x1xf32>
    %iota3A_417 = tpu.iota {dimensions = array<i32: 0>} : vector<256x1xi32>
    %add3A_418 = arith.constant 2304 : i32
    %add3A_419 = vector.broadcast %add3A_418 : i32 to vector<256x1xi32>
    %add3A_420 = arith.addi %iota3A_417, %add3A_419 : vector<256x1xi32>
    %gt3A_421 = arith.constant 5.000000e-02 : f32
    %gt3A_422 = vector.broadcast %gt3A_421 : f32 to vector<256x1xf32>
    %gt3A_423 = arith.cmpf ogt, %get3A_416, %gt3A_422 : vector<256x1xf32>
    %jit3A_424 = arith.constant 0.000000e+00 : f32
    %broadcast_in_dim3A_425 = vector.broadcast %jit3A_424 : f32 to vector<256x1xf32>
    %select_n3A_426 = arith.select %gt3A_423, %get3A_416, %broadcast_in_dim3A_425 : vector<256x1xi1>, vector<256x1xf32>
    %lt3A_427 = arith.constant 5000 : i32
    %lt3A_428 = vector.broadcast %lt3A_427 : i32 to vector<256x1xi32>
    %lt3A_429 = arith.cmpi slt, %add3A_420, %lt3A_428 : vector<256x1xi32>
    %jit3A_430 = arith.constant -1.000000e+00 : f32
    %broadcast_in_dim3A_431 = vector.broadcast %jit3A_430 : f32 to vector<256x1xf32>
    %select_n3A_432 = arith.select %lt3A_429, %select_n3A_426, %broadcast_in_dim3A_431 : vector<256x1xi1>, vector<256x1xf32>
    %gt3A_433 = vector.broadcast %select_n3A_11 : vector<1x5120xf32> to vector<256x5120xf32>
    %gt3A_434 = vector.broadcast %select_n3A_432 : vector<256x1xf32> to vector<256x5120xf32>
    %gt3A_435 = arith.cmpf ogt, %gt3A_433, %gt3A_434 : vector<256x5120xf32>
    %eq3A_436 = vector.broadcast %select_n3A_11 : vector<1x5120xf32> to vector<256x5120xf32>
    %eq3A_437 = vector.broadcast %select_n3A_432 : vector<256x1xf32> to vector<256x5120xf32>
    %eq3A_438 = arith.cmpf oeq, %eq3A_436, %eq3A_437 : vector<256x5120xf32>
    %lt3A_439 = vector.broadcast %iota3A_0 : vector<1x5120xi32> to vector<256x5120xi32>
    %lt3A_440 = vector.broadcast %add3A_420 : vector<256x1xi32> to vector<256x5120xi32>
    %lt3A_441 = arith.cmpi slt, %lt3A_439, %lt3A_440 : vector<256x5120xi32>
    %and3A_442 = arith.andi %eq3A_438, %lt3A_441 : vector<256x5120xi1>
    %or3A_443 = arith.ori %gt3A_435, %and3A_442 : vector<256x5120xi1>
    %convert_element_type3A_444 = arith.extui %or3A_443 : vector<256x5120xi1> to vector<256x5120xi32>
    %convert_element_type3A_445 = arith.sitofp %convert_element_type3A_444 : vector<256x5120xi32> to vector<256x5120xf32>
    %dot_general3A_446 = arith.constant dense<0.000000e+00> : vector<256x1xf32>
    %dot_general3A_447 = tpu.matmul %convert_element_type3A_445, %broadcast_in_dim3A_1, %dot_general3A_446 {dimension_numbers = #tpu.dot_dimension_numbers<[1], [0], [0], [1], [0, 0, 1, 1], [], []>, transpose_lhs_hint = false} : vector<256x5120xf32>, vector<5120x1xf32>, vector<256x1xf32> -> vector<256x1xf32>
    %eq3A_448 = vector.broadcast %dot_general3A_447 : vector<256x1xf32> to vector<256x1024xf32>
    %eq3A_449 = vector.broadcast %convert_element_type3A : vector<1x1024xf32> to vector<256x1024xf32>
    %eq3A_450 = arith.cmpf oeq, %eq3A_448, %eq3A_449 : vector<256x1024xf32>
    %convert_element_type3A_451 = arith.extui %eq3A_450 : vector<256x1024xi1> to vector<256x1024xi32>
    %convert_element_type3A_452 = arith.sitofp %convert_element_type3A_451 : vector<256x1024xi32> to vector<256x1024xf32>
    %get3A_453 = arith.constant 2304 : index
    %get3A_454 = arith.constant 0 : index
    %get3A_455 = vector.load %arg2[%get3A_453, %get3A_454] : memref<5120x2xf32, #tpu.memory_space<vmem>>, vector<256x2xf32>
    %dot_general3A_456 = arith.constant dense<0.000000e+00> : vector<1024x2xf32>
    %dot_general3A_457 = tpu.matmul %convert_element_type3A_452, %get3A_455, %dot_general3A_456 {dimension_numbers = #tpu.dot_dimension_numbers<[0], [0], [1], [1], [0, 1, 1, 1], [], []>, transpose_lhs_hint = false} : vector<256x1024xf32>, vector<256x2xf32>, vector<1024x2xf32> -> vector<1024x2xf32>
    %add3A_458 = arith.addf %add3A_413, %dot_general3A_457 : vector<1024x2xf32>
    %get3A_459 = arith.constant 2560 : index
    %get3A_460 = arith.constant 0 : index
    %get3A_461 = vector.load %arg1[%get3A_459, %get3A_460] : memref<5120x1xf32, #tpu.memory_space<vmem>>, vector<256x1xf32>
    %iota3A_462 = tpu.iota {dimensions = array<i32: 0>} : vector<256x1xi32>
    %add3A_463 = arith.constant 2560 : i32
    %add3A_464 = vector.broadcast %add3A_463 : i32 to vector<256x1xi32>
    %add3A_465 = arith.addi %iota3A_462, %add3A_464 : vector<256x1xi32>
    %gt3A_466 = arith.constant 5.000000e-02 : f32
    %gt3A_467 = vector.broadcast %gt3A_466 : f32 to vector<256x1xf32>
    %gt3A_468 = arith.cmpf ogt, %get3A_461, %gt3A_467 : vector<256x1xf32>
    %jit3A_469 = arith.constant 0.000000e+00 : f32
    %broadcast_in_dim3A_470 = vector.broadcast %jit3A_469 : f32 to vector<256x1xf32>
    %select_n3A_471 = arith.select %gt3A_468, %get3A_461, %broadcast_in_dim3A_470 : vector<256x1xi1>, vector<256x1xf32>
    %lt3A_472 = arith.constant 5000 : i32
    %lt3A_473 = vector.broadcast %lt3A_472 : i32 to vector<256x1xi32>
    %lt3A_474 = arith.cmpi slt, %add3A_465, %lt3A_473 : vector<256x1xi32>
    %jit3A_475 = arith.constant -1.000000e+00 : f32
    %broadcast_in_dim3A_476 = vector.broadcast %jit3A_475 : f32 to vector<256x1xf32>
    %select_n3A_477 = arith.select %lt3A_474, %select_n3A_471, %broadcast_in_dim3A_476 : vector<256x1xi1>, vector<256x1xf32>
    %gt3A_478 = vector.broadcast %select_n3A_11 : vector<1x5120xf32> to vector<256x5120xf32>
    %gt3A_479 = vector.broadcast %select_n3A_477 : vector<256x1xf32> to vector<256x5120xf32>
    %gt3A_480 = arith.cmpf ogt, %gt3A_478, %gt3A_479 : vector<256x5120xf32>
    %eq3A_481 = vector.broadcast %select_n3A_11 : vector<1x5120xf32> to vector<256x5120xf32>
    %eq3A_482 = vector.broadcast %select_n3A_477 : vector<256x1xf32> to vector<256x5120xf32>
    %eq3A_483 = arith.cmpf oeq, %eq3A_481, %eq3A_482 : vector<256x5120xf32>
    %lt3A_484 = vector.broadcast %iota3A_0 : vector<1x5120xi32> to vector<256x5120xi32>
    %lt3A_485 = vector.broadcast %add3A_465 : vector<256x1xi32> to vector<256x5120xi32>
    %lt3A_486 = arith.cmpi slt, %lt3A_484, %lt3A_485 : vector<256x5120xi32>
    %and3A_487 = arith.andi %eq3A_483, %lt3A_486 : vector<256x5120xi1>
    %or3A_488 = arith.ori %gt3A_480, %and3A_487 : vector<256x5120xi1>
    %convert_element_type3A_489 = arith.extui %or3A_488 : vector<256x5120xi1> to vector<256x5120xi32>
    %convert_element_type3A_490 = arith.sitofp %convert_element_type3A_489 : vector<256x5120xi32> to vector<256x5120xf32>
    %dot_general3A_491 = arith.constant dense<0.000000e+00> : vector<256x1xf32>
    %dot_general3A_492 = tpu.matmul %convert_element_type3A_490, %broadcast_in_dim3A_1, %dot_general3A_491 {dimension_numbers = #tpu.dot_dimension_numbers<[1], [0], [0], [1], [0, 0, 1, 1], [], []>, transpose_lhs_hint = false} : vector<256x5120xf32>, vector<5120x1xf32>, vector<256x1xf32> -> vector<256x1xf32>
    %eq3A_493 = vector.broadcast %dot_general3A_492 : vector<256x1xf32> to vector<256x1024xf32>
    %eq3A_494 = vector.broadcast %convert_element_type3A : vector<1x1024xf32> to vector<256x1024xf32>
    %eq3A_495 = arith.cmpf oeq, %eq3A_493, %eq3A_494 : vector<256x1024xf32>
    %convert_element_type3A_496 = arith.extui %eq3A_495 : vector<256x1024xi1> to vector<256x1024xi32>
    %convert_element_type3A_497 = arith.sitofp %convert_element_type3A_496 : vector<256x1024xi32> to vector<256x1024xf32>
    %get3A_498 = arith.constant 2560 : index
    %get3A_499 = arith.constant 0 : index
    %get3A_500 = vector.load %arg2[%get3A_498, %get3A_499] : memref<5120x2xf32, #tpu.memory_space<vmem>>, vector<256x2xf32>
    %dot_general3A_501 = arith.constant dense<0.000000e+00> : vector<1024x2xf32>
    %dot_general3A_502 = tpu.matmul %convert_element_type3A_497, %get3A_500, %dot_general3A_501 {dimension_numbers = #tpu.dot_dimension_numbers<[0], [0], [1], [1], [0, 1, 1, 1], [], []>, transpose_lhs_hint = false} : vector<256x1024xf32>, vector<256x2xf32>, vector<1024x2xf32> -> vector<1024x2xf32>
    %add3A_503 = arith.addf %add3A_458, %dot_general3A_502 : vector<1024x2xf32>
    %get3A_504 = arith.constant 2816 : index
    %get3A_505 = arith.constant 0 : index
    %get3A_506 = vector.load %arg1[%get3A_504, %get3A_505] : memref<5120x1xf32, #tpu.memory_space<vmem>>, vector<256x1xf32>
    %iota3A_507 = tpu.iota {dimensions = array<i32: 0>} : vector<256x1xi32>
    %add3A_508 = arith.constant 2816 : i32
    %add3A_509 = vector.broadcast %add3A_508 : i32 to vector<256x1xi32>
    %add3A_510 = arith.addi %iota3A_507, %add3A_509 : vector<256x1xi32>
    %gt3A_511 = arith.constant 5.000000e-02 : f32
    %gt3A_512 = vector.broadcast %gt3A_511 : f32 to vector<256x1xf32>
    %gt3A_513 = arith.cmpf ogt, %get3A_506, %gt3A_512 : vector<256x1xf32>
    %jit3A_514 = arith.constant 0.000000e+00 : f32
    %broadcast_in_dim3A_515 = vector.broadcast %jit3A_514 : f32 to vector<256x1xf32>
    %select_n3A_516 = arith.select %gt3A_513, %get3A_506, %broadcast_in_dim3A_515 : vector<256x1xi1>, vector<256x1xf32>
    %lt3A_517 = arith.constant 5000 : i32
    %lt3A_518 = vector.broadcast %lt3A_517 : i32 to vector<256x1xi32>
    %lt3A_519 = arith.cmpi slt, %add3A_510, %lt3A_518 : vector<256x1xi32>
    %jit3A_520 = arith.constant -1.000000e+00 : f32
    %broadcast_in_dim3A_521 = vector.broadcast %jit3A_520 : f32 to vector<256x1xf32>
    %select_n3A_522 = arith.select %lt3A_519, %select_n3A_516, %broadcast_in_dim3A_521 : vector<256x1xi1>, vector<256x1xf32>
    %gt3A_523 = vector.broadcast %select_n3A_11 : vector<1x5120xf32> to vector<256x5120xf32>
    %gt3A_524 = vector.broadcast %select_n3A_522 : vector<256x1xf32> to vector<256x5120xf32>
    %gt3A_525 = arith.cmpf ogt, %gt3A_523, %gt3A_524 : vector<256x5120xf32>
    %eq3A_526 = vector.broadcast %select_n3A_11 : vector<1x5120xf32> to vector<256x5120xf32>
    %eq3A_527 = vector.broadcast %select_n3A_522 : vector<256x1xf32> to vector<256x5120xf32>
    %eq3A_528 = arith.cmpf oeq, %eq3A_526, %eq3A_527 : vector<256x5120xf32>
    %lt3A_529 = vector.broadcast %iota3A_0 : vector<1x5120xi32> to vector<256x5120xi32>
    %lt3A_530 = vector.broadcast %add3A_510 : vector<256x1xi32> to vector<256x5120xi32>
    %lt3A_531 = arith.cmpi slt, %lt3A_529, %lt3A_530 : vector<256x5120xi32>
    %and3A_532 = arith.andi %eq3A_528, %lt3A_531 : vector<256x5120xi1>
    %or3A_533 = arith.ori %gt3A_525, %and3A_532 : vector<256x5120xi1>
    %convert_element_type3A_534 = arith.extui %or3A_533 : vector<256x5120xi1> to vector<256x5120xi32>
    %convert_element_type3A_535 = arith.sitofp %convert_element_type3A_534 : vector<256x5120xi32> to vector<256x5120xf32>
    %dot_general3A_536 = arith.constant dense<0.000000e+00> : vector<256x1xf32>
    %dot_general3A_537 = tpu.matmul %convert_element_type3A_535, %broadcast_in_dim3A_1, %dot_general3A_536 {dimension_numbers = #tpu.dot_dimension_numbers<[1], [0], [0], [1], [0, 0, 1, 1], [], []>, transpose_lhs_hint = false} : vector<256x5120xf32>, vector<5120x1xf32>, vector<256x1xf32> -> vector<256x1xf32>
    %eq3A_538 = vector.broadcast %dot_general3A_537 : vector<256x1xf32> to vector<256x1024xf32>
    %eq3A_539 = vector.broadcast %convert_element_type3A : vector<1x1024xf32> to vector<256x1024xf32>
    %eq3A_540 = arith.cmpf oeq, %eq3A_538, %eq3A_539 : vector<256x1024xf32>
    %convert_element_type3A_541 = arith.extui %eq3A_540 : vector<256x1024xi1> to vector<256x1024xi32>
    %convert_element_type3A_542 = arith.sitofp %convert_element_type3A_541 : vector<256x1024xi32> to vector<256x1024xf32>
    %get3A_543 = arith.constant 2816 : index
    %get3A_544 = arith.constant 0 : index
    %get3A_545 = vector.load %arg2[%get3A_543, %get3A_544] : memref<5120x2xf32, #tpu.memory_space<vmem>>, vector<256x2xf32>
    %dot_general3A_546 = arith.constant dense<0.000000e+00> : vector<1024x2xf32>
    %dot_general3A_547 = tpu.matmul %convert_element_type3A_542, %get3A_545, %dot_general3A_546 {dimension_numbers = #tpu.dot_dimension_numbers<[0], [0], [1], [1], [0, 1, 1, 1], [], []>, transpose_lhs_hint = false} : vector<256x1024xf32>, vector<256x2xf32>, vector<1024x2xf32> -> vector<1024x2xf32>
    %add3A_548 = arith.addf %add3A_503, %dot_general3A_547 : vector<1024x2xf32>
    %get3A_549 = arith.constant 3072 : index
    %get3A_550 = arith.constant 0 : index
    %get3A_551 = vector.load %arg1[%get3A_549, %get3A_550] : memref<5120x1xf32, #tpu.memory_space<vmem>>, vector<256x1xf32>
    %iota3A_552 = tpu.iota {dimensions = array<i32: 0>} : vector<256x1xi32>
    %add3A_553 = arith.constant 3072 : i32
    %add3A_554 = vector.broadcast %add3A_553 : i32 to vector<256x1xi32>
    %add3A_555 = arith.addi %iota3A_552, %add3A_554 : vector<256x1xi32>
    %gt3A_556 = arith.constant 5.000000e-02 : f32
    %gt3A_557 = vector.broadcast %gt3A_556 : f32 to vector<256x1xf32>
    %gt3A_558 = arith.cmpf ogt, %get3A_551, %gt3A_557 : vector<256x1xf32>
    %jit3A_559 = arith.constant 0.000000e+00 : f32
    %broadcast_in_dim3A_560 = vector.broadcast %jit3A_559 : f32 to vector<256x1xf32>
    %select_n3A_561 = arith.select %gt3A_558, %get3A_551, %broadcast_in_dim3A_560 : vector<256x1xi1>, vector<256x1xf32>
    %lt3A_562 = arith.constant 5000 : i32
    %lt3A_563 = vector.broadcast %lt3A_562 : i32 to vector<256x1xi32>
    %lt3A_564 = arith.cmpi slt, %add3A_555, %lt3A_563 : vector<256x1xi32>
    %jit3A_565 = arith.constant -1.000000e+00 : f32
    %broadcast_in_dim3A_566 = vector.broadcast %jit3A_565 : f32 to vector<256x1xf32>
    %select_n3A_567 = arith.select %lt3A_564, %select_n3A_561, %broadcast_in_dim3A_566 : vector<256x1xi1>, vector<256x1xf32>
    %gt3A_568 = vector.broadcast %select_n3A_11 : vector<1x5120xf32> to vector<256x5120xf32>
    %gt3A_569 = vector.broadcast %select_n3A_567 : vector<256x1xf32> to vector<256x5120xf32>
    %gt3A_570 = arith.cmpf ogt, %gt3A_568, %gt3A_569 : vector<256x5120xf32>
    %eq3A_571 = vector.broadcast %select_n3A_11 : vector<1x5120xf32> to vector<256x5120xf32>
    %eq3A_572 = vector.broadcast %select_n3A_567 : vector<256x1xf32> to vector<256x5120xf32>
    %eq3A_573 = arith.cmpf oeq, %eq3A_571, %eq3A_572 : vector<256x5120xf32>
    %lt3A_574 = vector.broadcast %iota3A_0 : vector<1x5120xi32> to vector<256x5120xi32>
    %lt3A_575 = vector.broadcast %add3A_555 : vector<256x1xi32> to vector<256x5120xi32>
    %lt3A_576 = arith.cmpi slt, %lt3A_574, %lt3A_575 : vector<256x5120xi32>
    %and3A_577 = arith.andi %eq3A_573, %lt3A_576 : vector<256x5120xi1>
    %or3A_578 = arith.ori %gt3A_570, %and3A_577 : vector<256x5120xi1>
    %convert_element_type3A_579 = arith.extui %or3A_578 : vector<256x5120xi1> to vector<256x5120xi32>
    %convert_element_type3A_580 = arith.sitofp %convert_element_type3A_579 : vector<256x5120xi32> to vector<256x5120xf32>
    %dot_general3A_581 = arith.constant dense<0.000000e+00> : vector<256x1xf32>
    %dot_general3A_582 = tpu.matmul %convert_element_type3A_580, %broadcast_in_dim3A_1, %dot_general3A_581 {dimension_numbers = #tpu.dot_dimension_numbers<[1], [0], [0], [1], [0, 0, 1, 1], [], []>, transpose_lhs_hint = false} : vector<256x5120xf32>, vector<5120x1xf32>, vector<256x1xf32> -> vector<256x1xf32>
    %eq3A_583 = vector.broadcast %dot_general3A_582 : vector<256x1xf32> to vector<256x1024xf32>
    %eq3A_584 = vector.broadcast %convert_element_type3A : vector<1x1024xf32> to vector<256x1024xf32>
    %eq3A_585 = arith.cmpf oeq, %eq3A_583, %eq3A_584 : vector<256x1024xf32>
    %convert_element_type3A_586 = arith.extui %eq3A_585 : vector<256x1024xi1> to vector<256x1024xi32>
    %convert_element_type3A_587 = arith.sitofp %convert_element_type3A_586 : vector<256x1024xi32> to vector<256x1024xf32>
    %get3A_588 = arith.constant 3072 : index
    %get3A_589 = arith.constant 0 : index
    %get3A_590 = vector.load %arg2[%get3A_588, %get3A_589] : memref<5120x2xf32, #tpu.memory_space<vmem>>, vector<256x2xf32>
    %dot_general3A_591 = arith.constant dense<0.000000e+00> : vector<1024x2xf32>
    %dot_general3A_592 = tpu.matmul %convert_element_type3A_587, %get3A_590, %dot_general3A_591 {dimension_numbers = #tpu.dot_dimension_numbers<[0], [0], [1], [1], [0, 1, 1, 1], [], []>, transpose_lhs_hint = false} : vector<256x1024xf32>, vector<256x2xf32>, vector<1024x2xf32> -> vector<1024x2xf32>
    %add3A_593 = arith.addf %add3A_548, %dot_general3A_592 : vector<1024x2xf32>
    %get3A_594 = arith.constant 3328 : index
    %get3A_595 = arith.constant 0 : index
    %get3A_596 = vector.load %arg1[%get3A_594, %get3A_595] : memref<5120x1xf32, #tpu.memory_space<vmem>>, vector<256x1xf32>
    %iota3A_597 = tpu.iota {dimensions = array<i32: 0>} : vector<256x1xi32>
    %add3A_598 = arith.constant 3328 : i32
    %add3A_599 = vector.broadcast %add3A_598 : i32 to vector<256x1xi32>
    %add3A_600 = arith.addi %iota3A_597, %add3A_599 : vector<256x1xi32>
    %gt3A_601 = arith.constant 5.000000e-02 : f32
    %gt3A_602 = vector.broadcast %gt3A_601 : f32 to vector<256x1xf32>
    %gt3A_603 = arith.cmpf ogt, %get3A_596, %gt3A_602 : vector<256x1xf32>
    %jit3A_604 = arith.constant 0.000000e+00 : f32
    %broadcast_in_dim3A_605 = vector.broadcast %jit3A_604 : f32 to vector<256x1xf32>
    %select_n3A_606 = arith.select %gt3A_603, %get3A_596, %broadcast_in_dim3A_605 : vector<256x1xi1>, vector<256x1xf32>
    %lt3A_607 = arith.constant 5000 : i32
    %lt3A_608 = vector.broadcast %lt3A_607 : i32 to vector<256x1xi32>
    %lt3A_609 = arith.cmpi slt, %add3A_600, %lt3A_608 : vector<256x1xi32>
    %jit3A_610 = arith.constant -1.000000e+00 : f32
    %broadcast_in_dim3A_611 = vector.broadcast %jit3A_610 : f32 to vector<256x1xf32>
    %select_n3A_612 = arith.select %lt3A_609, %select_n3A_606, %broadcast_in_dim3A_611 : vector<256x1xi1>, vector<256x1xf32>
    %gt3A_613 = vector.broadcast %select_n3A_11 : vector<1x5120xf32> to vector<256x5120xf32>
    %gt3A_614 = vector.broadcast %select_n3A_612 : vector<256x1xf32> to vector<256x5120xf32>
    %gt3A_615 = arith.cmpf ogt, %gt3A_613, %gt3A_614 : vector<256x5120xf32>
    %eq3A_616 = vector.broadcast %select_n3A_11 : vector<1x5120xf32> to vector<256x5120xf32>
    %eq3A_617 = vector.broadcast %select_n3A_612 : vector<256x1xf32> to vector<256x5120xf32>
    %eq3A_618 = arith.cmpf oeq, %eq3A_616, %eq3A_617 : vector<256x5120xf32>
    %lt3A_619 = vector.broadcast %iota3A_0 : vector<1x5120xi32> to vector<256x5120xi32>
    %lt3A_620 = vector.broadcast %add3A_600 : vector<256x1xi32> to vector<256x5120xi32>
    %lt3A_621 = arith.cmpi slt, %lt3A_619, %lt3A_620 : vector<256x5120xi32>
    %and3A_622 = arith.andi %eq3A_618, %lt3A_621 : vector<256x5120xi1>
    %or3A_623 = arith.ori %gt3A_615, %and3A_622 : vector<256x5120xi1>
    %convert_element_type3A_624 = arith.extui %or3A_623 : vector<256x5120xi1> to vector<256x5120xi32>
    %convert_element_type3A_625 = arith.sitofp %convert_element_type3A_624 : vector<256x5120xi32> to vector<256x5120xf32>
    %dot_general3A_626 = arith.constant dense<0.000000e+00> : vector<256x1xf32>
    %dot_general3A_627 = tpu.matmul %convert_element_type3A_625, %broadcast_in_dim3A_1, %dot_general3A_626 {dimension_numbers = #tpu.dot_dimension_numbers<[1], [0], [0], [1], [0, 0, 1, 1], [], []>, transpose_lhs_hint = false} : vector<256x5120xf32>, vector<5120x1xf32>, vector<256x1xf32> -> vector<256x1xf32>
    %eq3A_628 = vector.broadcast %dot_general3A_627 : vector<256x1xf32> to vector<256x1024xf32>
    %eq3A_629 = vector.broadcast %convert_element_type3A : vector<1x1024xf32> to vector<256x1024xf32>
    %eq3A_630 = arith.cmpf oeq, %eq3A_628, %eq3A_629 : vector<256x1024xf32>
    %convert_element_type3A_631 = arith.extui %eq3A_630 : vector<256x1024xi1> to vector<256x1024xi32>
    %convert_element_type3A_632 = arith.sitofp %convert_element_type3A_631 : vector<256x1024xi32> to vector<256x1024xf32>
    %get3A_633 = arith.constant 3328 : index
    %get3A_634 = arith.constant 0 : index
    %get3A_635 = vector.load %arg2[%get3A_633, %get3A_634] : memref<5120x2xf32, #tpu.memory_space<vmem>>, vector<256x2xf32>
    %dot_general3A_636 = arith.constant dense<0.000000e+00> : vector<1024x2xf32>
    %dot_general3A_637 = tpu.matmul %convert_element_type3A_632, %get3A_635, %dot_general3A_636 {dimension_numbers = #tpu.dot_dimension_numbers<[0], [0], [1], [1], [0, 1, 1, 1], [], []>, transpose_lhs_hint = false} : vector<256x1024xf32>, vector<256x2xf32>, vector<1024x2xf32> -> vector<1024x2xf32>
    %add3A_638 = arith.addf %add3A_593, %dot_general3A_637 : vector<1024x2xf32>
    %get3A_639 = arith.constant 3584 : index
    %get3A_640 = arith.constant 0 : index
    %get3A_641 = vector.load %arg1[%get3A_639, %get3A_640] : memref<5120x1xf32, #tpu.memory_space<vmem>>, vector<256x1xf32>
    %iota3A_642 = tpu.iota {dimensions = array<i32: 0>} : vector<256x1xi32>
    %add3A_643 = arith.constant 3584 : i32
    %add3A_644 = vector.broadcast %add3A_643 : i32 to vector<256x1xi32>
    %add3A_645 = arith.addi %iota3A_642, %add3A_644 : vector<256x1xi32>
    %gt3A_646 = arith.constant 5.000000e-02 : f32
    %gt3A_647 = vector.broadcast %gt3A_646 : f32 to vector<256x1xf32>
    %gt3A_648 = arith.cmpf ogt, %get3A_641, %gt3A_647 : vector<256x1xf32>
    %jit3A_649 = arith.constant 0.000000e+00 : f32
    %broadcast_in_dim3A_650 = vector.broadcast %jit3A_649 : f32 to vector<256x1xf32>
    %select_n3A_651 = arith.select %gt3A_648, %get3A_641, %broadcast_in_dim3A_650 : vector<256x1xi1>, vector<256x1xf32>
    %lt3A_652 = arith.constant 5000 : i32
    %lt3A_653 = vector.broadcast %lt3A_652 : i32 to vector<256x1xi32>
    %lt3A_654 = arith.cmpi slt, %add3A_645, %lt3A_653 : vector<256x1xi32>
    %jit3A_655 = arith.constant -1.000000e+00 : f32
    %broadcast_in_dim3A_656 = vector.broadcast %jit3A_655 : f32 to vector<256x1xf32>
    %select_n3A_657 = arith.select %lt3A_654, %select_n3A_651, %broadcast_in_dim3A_656 : vector<256x1xi1>, vector<256x1xf32>
    %gt3A_658 = vector.broadcast %select_n3A_11 : vector<1x5120xf32> to vector<256x5120xf32>
    %gt3A_659 = vector.broadcast %select_n3A_657 : vector<256x1xf32> to vector<256x5120xf32>
    %gt3A_660 = arith.cmpf ogt, %gt3A_658, %gt3A_659 : vector<256x5120xf32>
    %eq3A_661 = vector.broadcast %select_n3A_11 : vector<1x5120xf32> to vector<256x5120xf32>
    %eq3A_662 = vector.broadcast %select_n3A_657 : vector<256x1xf32> to vector<256x5120xf32>
    %eq3A_663 = arith.cmpf oeq, %eq3A_661, %eq3A_662 : vector<256x5120xf32>
    %lt3A_664 = vector.broadcast %iota3A_0 : vector<1x5120xi32> to vector<256x5120xi32>
    %lt3A_665 = vector.broadcast %add3A_645 : vector<256x1xi32> to vector<256x5120xi32>
    %lt3A_666 = arith.cmpi slt, %lt3A_664, %lt3A_665 : vector<256x5120xi32>
    %and3A_667 = arith.andi %eq3A_663, %lt3A_666 : vector<256x5120xi1>
    %or3A_668 = arith.ori %gt3A_660, %and3A_667 : vector<256x5120xi1>
    %convert_element_type3A_669 = arith.extui %or3A_668 : vector<256x5120xi1> to vector<256x5120xi32>
    %convert_element_type3A_670 = arith.sitofp %convert_element_type3A_669 : vector<256x5120xi32> to vector<256x5120xf32>
    %dot_general3A_671 = arith.constant dense<0.000000e+00> : vector<256x1xf32>
    %dot_general3A_672 = tpu.matmul %convert_element_type3A_670, %broadcast_in_dim3A_1, %dot_general3A_671 {dimension_numbers = #tpu.dot_dimension_numbers<[1], [0], [0], [1], [0, 0, 1, 1], [], []>, transpose_lhs_hint = false} : vector<256x5120xf32>, vector<5120x1xf32>, vector<256x1xf32> -> vector<256x1xf32>
    %eq3A_673 = vector.broadcast %dot_general3A_672 : vector<256x1xf32> to vector<256x1024xf32>
    %eq3A_674 = vector.broadcast %convert_element_type3A : vector<1x1024xf32> to vector<256x1024xf32>
    %eq3A_675 = arith.cmpf oeq, %eq3A_673, %eq3A_674 : vector<256x1024xf32>
    %convert_element_type3A_676 = arith.extui %eq3A_675 : vector<256x1024xi1> to vector<256x1024xi32>
    %convert_element_type3A_677 = arith.sitofp %convert_element_type3A_676 : vector<256x1024xi32> to vector<256x1024xf32>
    %get3A_678 = arith.constant 3584 : index
    %get3A_679 = arith.constant 0 : index
    %get3A_680 = vector.load %arg2[%get3A_678, %get3A_679] : memref<5120x2xf32, #tpu.memory_space<vmem>>, vector<256x2xf32>
    %dot_general3A_681 = arith.constant dense<0.000000e+00> : vector<1024x2xf32>
    %dot_general3A_682 = tpu.matmul %convert_element_type3A_677, %get3A_680, %dot_general3A_681 {dimension_numbers = #tpu.dot_dimension_numbers<[0], [0], [1], [1], [0, 1, 1, 1], [], []>, transpose_lhs_hint = false} : vector<256x1024xf32>, vector<256x2xf32>, vector<1024x2xf32> -> vector<1024x2xf32>
    %add3A_683 = arith.addf %add3A_638, %dot_general3A_682 : vector<1024x2xf32>
    %get3A_684 = arith.constant 3840 : index
    %get3A_685 = arith.constant 0 : index
    %get3A_686 = vector.load %arg1[%get3A_684, %get3A_685] : memref<5120x1xf32, #tpu.memory_space<vmem>>, vector<256x1xf32>
    %iota3A_687 = tpu.iota {dimensions = array<i32: 0>} : vector<256x1xi32>
    %add3A_688 = arith.constant 3840 : i32
    %add3A_689 = vector.broadcast %add3A_688 : i32 to vector<256x1xi32>
    %add3A_690 = arith.addi %iota3A_687, %add3A_689 : vector<256x1xi32>
    %gt3A_691 = arith.constant 5.000000e-02 : f32
    %gt3A_692 = vector.broadcast %gt3A_691 : f32 to vector<256x1xf32>
    %gt3A_693 = arith.cmpf ogt, %get3A_686, %gt3A_692 : vector<256x1xf32>
    %jit3A_694 = arith.constant 0.000000e+00 : f32
    %broadcast_in_dim3A_695 = vector.broadcast %jit3A_694 : f32 to vector<256x1xf32>
    %select_n3A_696 = arith.select %gt3A_693, %get3A_686, %broadcast_in_dim3A_695 : vector<256x1xi1>, vector<256x1xf32>
    %lt3A_697 = arith.constant 5000 : i32
    %lt3A_698 = vector.broadcast %lt3A_697 : i32 to vector<256x1xi32>
    %lt3A_699 = arith.cmpi slt, %add3A_690, %lt3A_698 : vector<256x1xi32>
    %jit3A_700 = arith.constant -1.000000e+00 : f32
    %broadcast_in_dim3A_701 = vector.broadcast %jit3A_700 : f32 to vector<256x1xf32>
    %select_n3A_702 = arith.select %lt3A_699, %select_n3A_696, %broadcast_in_dim3A_701 : vector<256x1xi1>, vector<256x1xf32>
    %gt3A_703 = vector.broadcast %select_n3A_11 : vector<1x5120xf32> to vector<256x5120xf32>
    %gt3A_704 = vector.broadcast %select_n3A_702 : vector<256x1xf32> to vector<256x5120xf32>
    %gt3A_705 = arith.cmpf ogt, %gt3A_703, %gt3A_704 : vector<256x5120xf32>
    %eq3A_706 = vector.broadcast %select_n3A_11 : vector<1x5120xf32> to vector<256x5120xf32>
    %eq3A_707 = vector.broadcast %select_n3A_702 : vector<256x1xf32> to vector<256x5120xf32>
    %eq3A_708 = arith.cmpf oeq, %eq3A_706, %eq3A_707 : vector<256x5120xf32>
    %lt3A_709 = vector.broadcast %iota3A_0 : vector<1x5120xi32> to vector<256x5120xi32>
    %lt3A_710 = vector.broadcast %add3A_690 : vector<256x1xi32> to vector<256x5120xi32>
    %lt3A_711 = arith.cmpi slt, %lt3A_709, %lt3A_710 : vector<256x5120xi32>
    %and3A_712 = arith.andi %eq3A_708, %lt3A_711 : vector<256x5120xi1>
    %or3A_713 = arith.ori %gt3A_705, %and3A_712 : vector<256x5120xi1>
    %convert_element_type3A_714 = arith.extui %or3A_713 : vector<256x5120xi1> to vector<256x5120xi32>
    %convert_element_type3A_715 = arith.sitofp %convert_element_type3A_714 : vector<256x5120xi32> to vector<256x5120xf32>
    %dot_general3A_716 = arith.constant dense<0.000000e+00> : vector<256x1xf32>
    %dot_general3A_717 = tpu.matmul %convert_element_type3A_715, %broadcast_in_dim3A_1, %dot_general3A_716 {dimension_numbers = #tpu.dot_dimension_numbers<[1], [0], [0], [1], [0, 0, 1, 1], [], []>, transpose_lhs_hint = false} : vector<256x5120xf32>, vector<5120x1xf32>, vector<256x1xf32> -> vector<256x1xf32>
    %eq3A_718 = vector.broadcast %dot_general3A_717 : vector<256x1xf32> to vector<256x1024xf32>
    %eq3A_719 = vector.broadcast %convert_element_type3A : vector<1x1024xf32> to vector<256x1024xf32>
    %eq3A_720 = arith.cmpf oeq, %eq3A_718, %eq3A_719 : vector<256x1024xf32>
    %convert_element_type3A_721 = arith.extui %eq3A_720 : vector<256x1024xi1> to vector<256x1024xi32>
    %convert_element_type3A_722 = arith.sitofp %convert_element_type3A_721 : vector<256x1024xi32> to vector<256x1024xf32>
    %get3A_723 = arith.constant 3840 : index
    %get3A_724 = arith.constant 0 : index
    %get3A_725 = vector.load %arg2[%get3A_723, %get3A_724] : memref<5120x2xf32, #tpu.memory_space<vmem>>, vector<256x2xf32>
    %dot_general3A_726 = arith.constant dense<0.000000e+00> : vector<1024x2xf32>
    %dot_general3A_727 = tpu.matmul %convert_element_type3A_722, %get3A_725, %dot_general3A_726 {dimension_numbers = #tpu.dot_dimension_numbers<[0], [0], [1], [1], [0, 1, 1, 1], [], []>, transpose_lhs_hint = false} : vector<256x1024xf32>, vector<256x2xf32>, vector<1024x2xf32> -> vector<1024x2xf32>
    %add3A_728 = arith.addf %add3A_683, %dot_general3A_727 : vector<1024x2xf32>
    %get3A_729 = arith.constant 4096 : index
    %get3A_730 = arith.constant 0 : index
    %get3A_731 = vector.load %arg1[%get3A_729, %get3A_730] : memref<5120x1xf32, #tpu.memory_space<vmem>>, vector<256x1xf32>
    %iota3A_732 = tpu.iota {dimensions = array<i32: 0>} : vector<256x1xi32>
    %add3A_733 = arith.constant 4096 : i32
    %add3A_734 = vector.broadcast %add3A_733 : i32 to vector<256x1xi32>
    %add3A_735 = arith.addi %iota3A_732, %add3A_734 : vector<256x1xi32>
    %gt3A_736 = arith.constant 5.000000e-02 : f32
    %gt3A_737 = vector.broadcast %gt3A_736 : f32 to vector<256x1xf32>
    %gt3A_738 = arith.cmpf ogt, %get3A_731, %gt3A_737 : vector<256x1xf32>
    %jit3A_739 = arith.constant 0.000000e+00 : f32
    %broadcast_in_dim3A_740 = vector.broadcast %jit3A_739 : f32 to vector<256x1xf32>
    %select_n3A_741 = arith.select %gt3A_738, %get3A_731, %broadcast_in_dim3A_740 : vector<256x1xi1>, vector<256x1xf32>
    %lt3A_742 = arith.constant 5000 : i32
    %lt3A_743 = vector.broadcast %lt3A_742 : i32 to vector<256x1xi32>
    %lt3A_744 = arith.cmpi slt, %add3A_735, %lt3A_743 : vector<256x1xi32>
    %jit3A_745 = arith.constant -1.000000e+00 : f32
    %broadcast_in_dim3A_746 = vector.broadcast %jit3A_745 : f32 to vector<256x1xf32>
    %select_n3A_747 = arith.select %lt3A_744, %select_n3A_741, %broadcast_in_dim3A_746 : vector<256x1xi1>, vector<256x1xf32>
    %gt3A_748 = vector.broadcast %select_n3A_11 : vector<1x5120xf32> to vector<256x5120xf32>
    %gt3A_749 = vector.broadcast %select_n3A_747 : vector<256x1xf32> to vector<256x5120xf32>
    %gt3A_750 = arith.cmpf ogt, %gt3A_748, %gt3A_749 : vector<256x5120xf32>
    %eq3A_751 = vector.broadcast %select_n3A_11 : vector<1x5120xf32> to vector<256x5120xf32>
    %eq3A_752 = vector.broadcast %select_n3A_747 : vector<256x1xf32> to vector<256x5120xf32>
    %eq3A_753 = arith.cmpf oeq, %eq3A_751, %eq3A_752 : vector<256x5120xf32>
    %lt3A_754 = vector.broadcast %iota3A_0 : vector<1x5120xi32> to vector<256x5120xi32>
    %lt3A_755 = vector.broadcast %add3A_735 : vector<256x1xi32> to vector<256x5120xi32>
    %lt3A_756 = arith.cmpi slt, %lt3A_754, %lt3A_755 : vector<256x5120xi32>
    %and3A_757 = arith.andi %eq3A_753, %lt3A_756 : vector<256x5120xi1>
    %or3A_758 = arith.ori %gt3A_750, %and3A_757 : vector<256x5120xi1>
    %convert_element_type3A_759 = arith.extui %or3A_758 : vector<256x5120xi1> to vector<256x5120xi32>
    %convert_element_type3A_760 = arith.sitofp %convert_element_type3A_759 : vector<256x5120xi32> to vector<256x5120xf32>
    %dot_general3A_761 = arith.constant dense<0.000000e+00> : vector<256x1xf32>
    %dot_general3A_762 = tpu.matmul %convert_element_type3A_760, %broadcast_in_dim3A_1, %dot_general3A_761 {dimension_numbers = #tpu.dot_dimension_numbers<[1], [0], [0], [1], [0, 0, 1, 1], [], []>, transpose_lhs_hint = false} : vector<256x5120xf32>, vector<5120x1xf32>, vector<256x1xf32> -> vector<256x1xf32>
    %eq3A_763 = vector.broadcast %dot_general3A_762 : vector<256x1xf32> to vector<256x1024xf32>
    %eq3A_764 = vector.broadcast %convert_element_type3A : vector<1x1024xf32> to vector<256x1024xf32>
    %eq3A_765 = arith.cmpf oeq, %eq3A_763, %eq3A_764 : vector<256x1024xf32>
    %convert_element_type3A_766 = arith.extui %eq3A_765 : vector<256x1024xi1> to vector<256x1024xi32>
    %convert_element_type3A_767 = arith.sitofp %convert_element_type3A_766 : vector<256x1024xi32> to vector<256x1024xf32>
    %get3A_768 = arith.constant 4096 : index
    %get3A_769 = arith.constant 0 : index
    %get3A_770 = vector.load %arg2[%get3A_768, %get3A_769] : memref<5120x2xf32, #tpu.memory_space<vmem>>, vector<256x2xf32>
    %dot_general3A_771 = arith.constant dense<0.000000e+00> : vector<1024x2xf32>
    %dot_general3A_772 = tpu.matmul %convert_element_type3A_767, %get3A_770, %dot_general3A_771 {dimension_numbers = #tpu.dot_dimension_numbers<[0], [0], [1], [1], [0, 1, 1, 1], [], []>, transpose_lhs_hint = false} : vector<256x1024xf32>, vector<256x2xf32>, vector<1024x2xf32> -> vector<1024x2xf32>
    %add3A_773 = arith.addf %add3A_728, %dot_general3A_772 : vector<1024x2xf32>
    %get3A_774 = arith.constant 4352 : index
    %get3A_775 = arith.constant 0 : index
    %get3A_776 = vector.load %arg1[%get3A_774, %get3A_775] : memref<5120x1xf32, #tpu.memory_space<vmem>>, vector<256x1xf32>
    %iota3A_777 = tpu.iota {dimensions = array<i32: 0>} : vector<256x1xi32>
    %add3A_778 = arith.constant 4352 : i32
    %add3A_779 = vector.broadcast %add3A_778 : i32 to vector<256x1xi32>
    %add3A_780 = arith.addi %iota3A_777, %add3A_779 : vector<256x1xi32>
    %gt3A_781 = arith.constant 5.000000e-02 : f32
    %gt3A_782 = vector.broadcast %gt3A_781 : f32 to vector<256x1xf32>
    %gt3A_783 = arith.cmpf ogt, %get3A_776, %gt3A_782 : vector<256x1xf32>
    %jit3A_784 = arith.constant 0.000000e+00 : f32
    %broadcast_in_dim3A_785 = vector.broadcast %jit3A_784 : f32 to vector<256x1xf32>
    %select_n3A_786 = arith.select %gt3A_783, %get3A_776, %broadcast_in_dim3A_785 : vector<256x1xi1>, vector<256x1xf32>
    %lt3A_787 = arith.constant 5000 : i32
    %lt3A_788 = vector.broadcast %lt3A_787 : i32 to vector<256x1xi32>
    %lt3A_789 = arith.cmpi slt, %add3A_780, %lt3A_788 : vector<256x1xi32>
    %jit3A_790 = arith.constant -1.000000e+00 : f32
    %broadcast_in_dim3A_791 = vector.broadcast %jit3A_790 : f32 to vector<256x1xf32>
    %select_n3A_792 = arith.select %lt3A_789, %select_n3A_786, %broadcast_in_dim3A_791 : vector<256x1xi1>, vector<256x1xf32>
    %gt3A_793 = vector.broadcast %select_n3A_11 : vector<1x5120xf32> to vector<256x5120xf32>
    %gt3A_794 = vector.broadcast %select_n3A_792 : vector<256x1xf32> to vector<256x5120xf32>
    %gt3A_795 = arith.cmpf ogt, %gt3A_793, %gt3A_794 : vector<256x5120xf32>
    %eq3A_796 = vector.broadcast %select_n3A_11 : vector<1x5120xf32> to vector<256x5120xf32>
    %eq3A_797 = vector.broadcast %select_n3A_792 : vector<256x1xf32> to vector<256x5120xf32>
    %eq3A_798 = arith.cmpf oeq, %eq3A_796, %eq3A_797 : vector<256x5120xf32>
    %lt3A_799 = vector.broadcast %iota3A_0 : vector<1x5120xi32> to vector<256x5120xi32>
    %lt3A_800 = vector.broadcast %add3A_780 : vector<256x1xi32> to vector<256x5120xi32>
    %lt3A_801 = arith.cmpi slt, %lt3A_799, %lt3A_800 : vector<256x5120xi32>
    %and3A_802 = arith.andi %eq3A_798, %lt3A_801 : vector<256x5120xi1>
    %or3A_803 = arith.ori %gt3A_795, %and3A_802 : vector<256x5120xi1>
    %convert_element_type3A_804 = arith.extui %or3A_803 : vector<256x5120xi1> to vector<256x5120xi32>
    %convert_element_type3A_805 = arith.sitofp %convert_element_type3A_804 : vector<256x5120xi32> to vector<256x5120xf32>
    %dot_general3A_806 = arith.constant dense<0.000000e+00> : vector<256x1xf32>
    %dot_general3A_807 = tpu.matmul %convert_element_type3A_805, %broadcast_in_dim3A_1, %dot_general3A_806 {dimension_numbers = #tpu.dot_dimension_numbers<[1], [0], [0], [1], [0, 0, 1, 1], [], []>, transpose_lhs_hint = false} : vector<256x5120xf32>, vector<5120x1xf32>, vector<256x1xf32> -> vector<256x1xf32>
    %eq3A_808 = vector.broadcast %dot_general3A_807 : vector<256x1xf32> to vector<256x1024xf32>
    %eq3A_809 = vector.broadcast %convert_element_type3A : vector<1x1024xf32> to vector<256x1024xf32>
    %eq3A_810 = arith.cmpf oeq, %eq3A_808, %eq3A_809 : vector<256x1024xf32>
    %convert_element_type3A_811 = arith.extui %eq3A_810 : vector<256x1024xi1> to vector<256x1024xi32>
    %convert_element_type3A_812 = arith.sitofp %convert_element_type3A_811 : vector<256x1024xi32> to vector<256x1024xf32>
    %get3A_813 = arith.constant 4352 : index
    %get3A_814 = arith.constant 0 : index
    %get3A_815 = vector.load %arg2[%get3A_813, %get3A_814] : memref<5120x2xf32, #tpu.memory_space<vmem>>, vector<256x2xf32>
    %dot_general3A_816 = arith.constant dense<0.000000e+00> : vector<1024x2xf32>
    %dot_general3A_817 = tpu.matmul %convert_element_type3A_812, %get3A_815, %dot_general3A_816 {dimension_numbers = #tpu.dot_dimension_numbers<[0], [0], [1], [1], [0, 1, 1, 1], [], []>, transpose_lhs_hint = false} : vector<256x1024xf32>, vector<256x2xf32>, vector<1024x2xf32> -> vector<1024x2xf32>
    %add3A_818 = arith.addf %add3A_773, %dot_general3A_817 : vector<1024x2xf32>
    %get3A_819 = arith.constant 4608 : index
    %get3A_820 = arith.constant 0 : index
    %get3A_821 = vector.load %arg1[%get3A_819, %get3A_820] : memref<5120x1xf32, #tpu.memory_space<vmem>>, vector<256x1xf32>
    %iota3A_822 = tpu.iota {dimensions = array<i32: 0>} : vector<256x1xi32>
    %add3A_823 = arith.constant 4608 : i32
    %add3A_824 = vector.broadcast %add3A_823 : i32 to vector<256x1xi32>
    %add3A_825 = arith.addi %iota3A_822, %add3A_824 : vector<256x1xi32>
    %gt3A_826 = arith.constant 5.000000e-02 : f32
    %gt3A_827 = vector.broadcast %gt3A_826 : f32 to vector<256x1xf32>
    %gt3A_828 = arith.cmpf ogt, %get3A_821, %gt3A_827 : vector<256x1xf32>
    %jit3A_829 = arith.constant 0.000000e+00 : f32
    %broadcast_in_dim3A_830 = vector.broadcast %jit3A_829 : f32 to vector<256x1xf32>
    %select_n3A_831 = arith.select %gt3A_828, %get3A_821, %broadcast_in_dim3A_830 : vector<256x1xi1>, vector<256x1xf32>
    %lt3A_832 = arith.constant 5000 : i32
    %lt3A_833 = vector.broadcast %lt3A_832 : i32 to vector<256x1xi32>
    %lt3A_834 = arith.cmpi slt, %add3A_825, %lt3A_833 : vector<256x1xi32>
    %jit3A_835 = arith.constant -1.000000e+00 : f32
    %broadcast_in_dim3A_836 = vector.broadcast %jit3A_835 : f32 to vector<256x1xf32>
    %select_n3A_837 = arith.select %lt3A_834, %select_n3A_831, %broadcast_in_dim3A_836 : vector<256x1xi1>, vector<256x1xf32>
    %gt3A_838 = vector.broadcast %select_n3A_11 : vector<1x5120xf32> to vector<256x5120xf32>
    %gt3A_839 = vector.broadcast %select_n3A_837 : vector<256x1xf32> to vector<256x5120xf32>
    %gt3A_840 = arith.cmpf ogt, %gt3A_838, %gt3A_839 : vector<256x5120xf32>
    %eq3A_841 = vector.broadcast %select_n3A_11 : vector<1x5120xf32> to vector<256x5120xf32>
    %eq3A_842 = vector.broadcast %select_n3A_837 : vector<256x1xf32> to vector<256x5120xf32>
    %eq3A_843 = arith.cmpf oeq, %eq3A_841, %eq3A_842 : vector<256x5120xf32>
    %lt3A_844 = vector.broadcast %iota3A_0 : vector<1x5120xi32> to vector<256x5120xi32>
    %lt3A_845 = vector.broadcast %add3A_825 : vector<256x1xi32> to vector<256x5120xi32>
    %lt3A_846 = arith.cmpi slt, %lt3A_844, %lt3A_845 : vector<256x5120xi32>
    %and3A_847 = arith.andi %eq3A_843, %lt3A_846 : vector<256x5120xi1>
    %or3A_848 = arith.ori %gt3A_840, %and3A_847 : vector<256x5120xi1>
    %convert_element_type3A_849 = arith.extui %or3A_848 : vector<256x5120xi1> to vector<256x5120xi32>
    %convert_element_type3A_850 = arith.sitofp %convert_element_type3A_849 : vector<256x5120xi32> to vector<256x5120xf32>
    %dot_general3A_851 = arith.constant dense<0.000000e+00> : vector<256x1xf32>
    %dot_general3A_852 = tpu.matmul %convert_element_type3A_850, %broadcast_in_dim3A_1, %dot_general3A_851 {dimension_numbers = #tpu.dot_dimension_numbers<[1], [0], [0], [1], [0, 0, 1, 1], [], []>, transpose_lhs_hint = false} : vector<256x5120xf32>, vector<5120x1xf32>, vector<256x1xf32> -> vector<256x1xf32>
    %eq3A_853 = vector.broadcast %dot_general3A_852 : vector<256x1xf32> to vector<256x1024xf32>
    %eq3A_854 = vector.broadcast %convert_element_type3A : vector<1x1024xf32> to vector<256x1024xf32>
    %eq3A_855 = arith.cmpf oeq, %eq3A_853, %eq3A_854 : vector<256x1024xf32>
    %convert_element_type3A_856 = arith.extui %eq3A_855 : vector<256x1024xi1> to vector<256x1024xi32>
    %convert_element_type3A_857 = arith.sitofp %convert_element_type3A_856 : vector<256x1024xi32> to vector<256x1024xf32>
    %get3A_858 = arith.constant 4608 : index
    %get3A_859 = arith.constant 0 : index
    %get3A_860 = vector.load %arg2[%get3A_858, %get3A_859] : memref<5120x2xf32, #tpu.memory_space<vmem>>, vector<256x2xf32>
    %dot_general3A_861 = arith.constant dense<0.000000e+00> : vector<1024x2xf32>
    %dot_general3A_862 = tpu.matmul %convert_element_type3A_857, %get3A_860, %dot_general3A_861 {dimension_numbers = #tpu.dot_dimension_numbers<[0], [0], [1], [1], [0, 1, 1, 1], [], []>, transpose_lhs_hint = false} : vector<256x1024xf32>, vector<256x2xf32>, vector<1024x2xf32> -> vector<1024x2xf32>
    %add3A_863 = arith.addf %add3A_818, %dot_general3A_862 : vector<1024x2xf32>
    %get3A_864 = arith.constant 4864 : index
    %get3A_865 = arith.constant 0 : index
    %get3A_866 = vector.load %arg1[%get3A_864, %get3A_865] : memref<5120x1xf32, #tpu.memory_space<vmem>>, vector<256x1xf32>
    %iota3A_867 = tpu.iota {dimensions = array<i32: 0>} : vector<256x1xi32>
    %add3A_868 = arith.constant 4864 : i32
    %add3A_869 = vector.broadcast %add3A_868 : i32 to vector<256x1xi32>
    %add3A_870 = arith.addi %iota3A_867, %add3A_869 : vector<256x1xi32>
    %gt3A_871 = arith.constant 5.000000e-02 : f32
    %gt3A_872 = vector.broadcast %gt3A_871 : f32 to vector<256x1xf32>
    %gt3A_873 = arith.cmpf ogt, %get3A_866, %gt3A_872 : vector<256x1xf32>
    %jit3A_874 = arith.constant 0.000000e+00 : f32
    %broadcast_in_dim3A_875 = vector.broadcast %jit3A_874 : f32 to vector<256x1xf32>
    %select_n3A_876 = arith.select %gt3A_873, %get3A_866, %broadcast_in_dim3A_875 : vector<256x1xi1>, vector<256x1xf32>
    %lt3A_877 = arith.constant 5000 : i32
    %lt3A_878 = vector.broadcast %lt3A_877 : i32 to vector<256x1xi32>
    %lt3A_879 = arith.cmpi slt, %add3A_870, %lt3A_878 : vector<256x1xi32>
    %jit3A_880 = arith.constant -1.000000e+00 : f32
    %broadcast_in_dim3A_881 = vector.broadcast %jit3A_880 : f32 to vector<256x1xf32>
    %select_n3A_882 = arith.select %lt3A_879, %select_n3A_876, %broadcast_in_dim3A_881 : vector<256x1xi1>, vector<256x1xf32>
    %gt3A_883 = vector.broadcast %select_n3A_11 : vector<1x5120xf32> to vector<256x5120xf32>
    %gt3A_884 = vector.broadcast %select_n3A_882 : vector<256x1xf32> to vector<256x5120xf32>
    %gt3A_885 = arith.cmpf ogt, %gt3A_883, %gt3A_884 : vector<256x5120xf32>
    %eq3A_886 = vector.broadcast %select_n3A_11 : vector<1x5120xf32> to vector<256x5120xf32>
    %eq3A_887 = vector.broadcast %select_n3A_882 : vector<256x1xf32> to vector<256x5120xf32>
    %eq3A_888 = arith.cmpf oeq, %eq3A_886, %eq3A_887 : vector<256x5120xf32>
    %lt3A_889 = vector.broadcast %iota3A_0 : vector<1x5120xi32> to vector<256x5120xi32>
    %lt3A_890 = vector.broadcast %add3A_870 : vector<256x1xi32> to vector<256x5120xi32>
    %lt3A_891 = arith.cmpi slt, %lt3A_889, %lt3A_890 : vector<256x5120xi32>
    %and3A_892 = arith.andi %eq3A_888, %lt3A_891 : vector<256x5120xi1>
    %or3A_893 = arith.ori %gt3A_885, %and3A_892 : vector<256x5120xi1>
    %convert_element_type3A_894 = arith.extui %or3A_893 : vector<256x5120xi1> to vector<256x5120xi32>
    %convert_element_type3A_895 = arith.sitofp %convert_element_type3A_894 : vector<256x5120xi32> to vector<256x5120xf32>
    %dot_general3A_896 = arith.constant dense<0.000000e+00> : vector<256x1xf32>
    %dot_general3A_897 = tpu.matmul %convert_element_type3A_895, %broadcast_in_dim3A_1, %dot_general3A_896 {dimension_numbers = #tpu.dot_dimension_numbers<[1], [0], [0], [1], [0, 0, 1, 1], [], []>, transpose_lhs_hint = false} : vector<256x5120xf32>, vector<5120x1xf32>, vector<256x1xf32> -> vector<256x1xf32>
    %eq3A_898 = vector.broadcast %dot_general3A_897 : vector<256x1xf32> to vector<256x1024xf32>
    %eq3A_899 = vector.broadcast %convert_element_type3A : vector<1x1024xf32> to vector<256x1024xf32>
    %eq3A_900 = arith.cmpf oeq, %eq3A_898, %eq3A_899 : vector<256x1024xf32>
    %convert_element_type3A_901 = arith.extui %eq3A_900 : vector<256x1024xi1> to vector<256x1024xi32>
    %convert_element_type3A_902 = arith.sitofp %convert_element_type3A_901 : vector<256x1024xi32> to vector<256x1024xf32>
    %get3A_903 = arith.constant 4864 : index
    %get3A_904 = arith.constant 0 : index
    %get3A_905 = vector.load %arg2[%get3A_903, %get3A_904] : memref<5120x2xf32, #tpu.memory_space<vmem>>, vector<256x2xf32>
    %dot_general3A_906 = arith.constant dense<0.000000e+00> : vector<1024x2xf32>
    %dot_general3A_907 = tpu.matmul %convert_element_type3A_902, %get3A_905, %dot_general3A_906 {dimension_numbers = #tpu.dot_dimension_numbers<[0], [0], [1], [1], [0, 1, 1, 1], [], []>, transpose_lhs_hint = false} : vector<256x1024xf32>, vector<256x2xf32>, vector<1024x2xf32> -> vector<1024x2xf32>
    %add3A_908 = arith.addf %add3A_863, %dot_general3A_907 : vector<1024x2xf32>
    %swap3A = arith.constant 0 : index
    %swap3A_909 = arith.constant 0 : index
    %swap3A_910 = vector.load %arg3[%swap3A, %swap3A_909] : memref<1024x2xf32, #tpu.memory_space<vmem>>, vector<1024x2xf32>
    tpu.vector_store %arg3[%swap3A, %swap3A_909], %add3A_908 {strides = array<i32>} : memref<1024x2xf32, #tpu.memory_space<vmem>>, vector<1024x2xf32>,
    return
  }
}

module attributes {stable_mosaic.version = 14 : i64} {
  func.func @_nms_kernel(%arg0: memref<1024x128xf32, #tpu.memory_space<vmem>>, %arg1: memref<1024x1024xf32, #tpu.memory_space<vmem>>, %arg2: memref<128x128xf32, #tpu.memory_space<vmem>>) attributes {dimension_semantics = [], scalar_prefetch = 0 : i64, scratch_operands = 0 : i64, tpu.core_type = #tpu.core_type<tc>} {
    %iota3A = tpu.iota {dimensions = array<i32: 1>} : vector<1x1024xi32>
    %iota3A_0 = tpu.iota {dimensions = array<i32: 0>} : vector<1024x1xi32>
    %broadcast_in_dim3A = arith.constant 1.000000e+00 : f32
    %broadcast_in_dim3A_1 = vector.broadcast %broadcast_in_dim3A : f32 to vector<1024x1xf32>
    %lt3A = arith.constant 1000 : i32
    %lt3A_2 = vector.broadcast %lt3A : i32 to vector<1024x1xi32>
    %lt3A_3 = arith.cmpi slt, %iota3A_0, %lt3A_2 : vector<1024x1xi32>
    %convert_element_type3A = arith.extui %lt3A_3 : vector<1024x1xi1> to vector<1024x1xi32>
    %convert_element_type3A_4 = arith.sitofp %convert_element_type3A : vector<1024x1xi32> to vector<1024x1xf32>
    %lt3A_5 = arith.constant 1000 : i32
    %lt3A_6 = vector.broadcast %lt3A_5 : i32 to vector<1x1024xi32>
    %lt3A_7 = arith.cmpi slt, %iota3A, %lt3A_6 : vector<1x1024xi32>
    %convert_element_type3A_8 = arith.extui %lt3A_7 : vector<1x1024xi1> to vector<1x1024xi32>
    %convert_element_type3A_9 = arith.sitofp %convert_element_type3A_8 : vector<1x1024xi32> to vector<1x1024xf32>
    %get3A = arith.constant 0 : index
    %get3A_10 = arith.constant 0 : index
    %get3A_11 = vector.load %arg1[%get3A, %get3A_10] : memref<1024x1024xf32, #tpu.memory_space<vmem>>, vector<1024x1024xf32>
    %get3A_12 = arith.constant 0 : index
    %get3A_13 = arith.constant 0 : index
    %get3A_14 = vector.load %arg0[%get3A_12, %get3A_13] : memref<1024x128xf32, #tpu.memory_space<vmem>>, vector<1024x128xf32>
    %mul3A = vector.broadcast %convert_element_type3A_4 : vector<1024x1xf32> to vector<1024x128xf32>
    %mul3A_15 = arith.mulf %get3A_14, %mul3A : vector<1024x128xf32>
    %bitcast_convert_type3A = tpu.bitcast %mul3A_15 : vector<1024x128xf32> -> vector<1024x128xi32>
    %and3A = arith.constant -65536 : i32
    %and3A_16 = vector.broadcast %and3A : i32 to vector<1024x128xi32>
    %and3A_17 = arith.andi %bitcast_convert_type3A, %and3A_16 : vector<1024x128xi32>
    %bitcast_convert_type3A_18 = tpu.bitcast %and3A_17 : vector<1024x128xi32> -> vector<1024x128xf32>
    %sub3A = arith.subf %mul3A_15, %bitcast_convert_type3A_18 : vector<1024x128xf32>
    %bitcast_convert_type3A_19 = tpu.bitcast %sub3A : vector<1024x128xf32> -> vector<1024x128xi32>
    %and3A_20 = arith.constant -65536 : i32
    %and3A_21 = vector.broadcast %and3A_20 : i32 to vector<1024x128xi32>
    %and3A_22 = arith.andi %bitcast_convert_type3A_19, %and3A_21 : vector<1024x128xi32>
    %bitcast_convert_type3A_23 = tpu.bitcast %and3A_22 : vector<1024x128xi32> -> vector<1024x128xf32>
    %sub3A_24 = arith.subf %sub3A, %bitcast_convert_type3A_23 : vector<1024x128xf32>
    %concatenate3A = tpu.concatenate %bitcast_convert_type3A_18, %bitcast_convert_type3A_23, %sub3A_24 in 1 : vector<1024x128xf32>, vector<1024x128xf32>, vector<1024x128xf32> -> vector<1024x384xf32>
    %dot_general3A = arith.constant dense<0.000000e+00> : vector<384x1024xf32>
    %dot_general3A_25 = tpu.matmul %concatenate3A, %get3A_11, %dot_general3A {dimension_numbers = #tpu.dot_dimension_numbers<[0], [0], [1], [1], [0, 1, 1, 1], [], []>, transpose_lhs_hint = false} : vector<1024x384xf32>, vector<1024x1024xf32>, vector<384x1024xf32> -> vector<384x1024xf32>
    %slice3A = vector.extract_strided_slice %dot_general3A_25 {offsets = [0, 0], sizes = [128, 1024], strides = [1, 1]} : vector<384x1024xf32> to vector<128x1024xf32>
    %slice3A_26 = vector.extract_strided_slice %dot_general3A_25 {offsets = [128, 0], sizes = [128, 1024], strides = [1, 1]} : vector<384x1024xf32> to vector<128x1024xf32>
    %add3A = arith.addf %slice3A, %slice3A_26 : vector<128x1024xf32>
    %slice3A_27 = vector.extract_strided_slice %dot_general3A_25 {offsets = [256, 0], sizes = [128, 1024], strides = [1, 1]} : vector<384x1024xf32> to vector<128x1024xf32>
    %add3A_28 = arith.addf %add3A, %slice3A_27 : vector<128x1024xf32>
    %slice3A_29 = vector.extract_strided_slice %mul3A_15 {offsets = [0, 0], sizes = [1024, 1], strides = [1, 1]} : vector<1024x128xf32> to vector<1024x1xf32>
    %slice3A_30 = vector.extract_strided_slice %mul3A_15 {offsets = [0, 1], sizes = [1024, 1], strides = [1, 1]} : vector<1024x128xf32> to vector<1024x1xf32>
    %slice3A_31 = vector.extract_strided_slice %mul3A_15 {offsets = [0, 2], sizes = [1024, 1], strides = [1, 1]} : vector<1024x128xf32> to vector<1024x1xf32>
    %slice3A_32 = vector.extract_strided_slice %mul3A_15 {offsets = [0, 3], sizes = [1024, 1], strides = [1, 1]} : vector<1024x128xf32> to vector<1024x1xf32>
    %slice3A_33 = vector.extract_strided_slice %add3A_28 {offsets = [0, 0], sizes = [1, 1024], strides = [1, 1]} : vector<128x1024xf32> to vector<1x1024xf32>
    %slice3A_34 = vector.extract_strided_slice %add3A_28 {offsets = [1, 0], sizes = [1, 1024], strides = [1, 1]} : vector<128x1024xf32> to vector<1x1024xf32>
    %slice3A_35 = vector.extract_strided_slice %add3A_28 {offsets = [2, 0], sizes = [1, 1024], strides = [1, 1]} : vector<128x1024xf32> to vector<1x1024xf32>
    %slice3A_36 = vector.extract_strided_slice %add3A_28 {offsets = [3, 0], sizes = [1, 1024], strides = [1, 1]} : vector<128x1024xf32> to vector<1x1024xf32>
    %max3A = vector.broadcast %slice3A_29 : vector<1024x1xf32> to vector<1024x1024xf32>
    %max3A_37 = vector.broadcast %slice3A_33 : vector<1x1024xf32> to vector<1024x1024xf32>
    %max3A_38 = arith.maximumf %max3A, %max3A_37 : vector<1024x1024xf32>
    %max3A_39 = vector.broadcast %slice3A_30 : vector<1024x1xf32> to vector<1024x1024xf32>
    %max3A_40 = vector.broadcast %slice3A_34 : vector<1x1024xf32> to vector<1024x1024xf32>
    %max3A_41 = arith.maximumf %max3A_39, %max3A_40 : vector<1024x1024xf32>
    %min3A = vector.broadcast %slice3A_31 : vector<1024x1xf32> to vector<1024x1024xf32>
    %min3A_42 = vector.broadcast %slice3A_35 : vector<1x1024xf32> to vector<1024x1024xf32>
    %min3A_43 = arith.minimumf %min3A, %min3A_42 : vector<1024x1024xf32>
    %min3A_44 = vector.broadcast %slice3A_32 : vector<1024x1xf32> to vector<1024x1024xf32>
    %min3A_45 = vector.broadcast %slice3A_36 : vector<1x1024xf32> to vector<1024x1024xf32>
    %min3A_46 = arith.minimumf %min3A_44, %min3A_45 : vector<1024x1024xf32>
    %sub3A_47 = arith.subf %min3A_43, %max3A_38 : vector<1024x1024xf32>
    %jit3A = arith.constant 0.000000e+00 : f32
    %max3A_48 = vector.broadcast %jit3A : f32 to vector<1024x1024xf32>
    %max3A_49 = arith.maximumf %max3A_48, %sub3A_47 : vector<1024x1024xf32>
    %sub3A_50 = arith.subf %min3A_46, %max3A_41 : vector<1024x1024xf32>
    %jit3A_51 = arith.constant 0.000000e+00 : f32
    %max3A_52 = vector.broadcast %jit3A_51 : f32 to vector<1024x1024xf32>
    %max3A_53 = arith.maximumf %max3A_52, %sub3A_50 : vector<1024x1024xf32>
    %mul3A_54 = arith.mulf %max3A_49, %max3A_53 : vector<1024x1024xf32>
    %sub3A_55 = arith.subf %slice3A_31, %slice3A_29 : vector<1024x1xf32>
    %sub3A_56 = arith.subf %slice3A_32, %slice3A_30 : vector<1024x1xf32>
    %mul3A_57 = arith.mulf %sub3A_55, %sub3A_56 : vector<1024x1xf32>
    %sub3A_58 = arith.subf %slice3A_35, %slice3A_33 : vector<1x1024xf32>
    %sub3A_59 = arith.subf %slice3A_36, %slice3A_34 : vector<1x1024xf32>
    %mul3A_60 = arith.mulf %sub3A_58, %sub3A_59 : vector<1x1024xf32>
    %add3A_61 = vector.broadcast %mul3A_57 : vector<1024x1xf32> to vector<1024x1024xf32>
    %add3A_62 = vector.broadcast %mul3A_60 : vector<1x1024xf32> to vector<1024x1024xf32>
    %add3A_63 = arith.addf %add3A_61, %add3A_62 : vector<1024x1024xf32>
    %sub3A_64 = arith.subf %add3A_63, %mul3A_54 : vector<1024x1024xf32>
    %max3A_65 = arith.constant 9.99999971E-10 : f32
    %max3A_66 = vector.broadcast %max3A_65 : f32 to vector<1024x1024xf32>
    %max3A_67 = arith.maximumf %sub3A_64, %max3A_66 : vector<1024x1024xf32>
    %div3A = arith.divf %mul3A_54, %max3A_67 : vector<1024x1024xf32>
    %gt3A = arith.constant 6.000000e-01 : f32
    %gt3A_68 = vector.broadcast %gt3A : f32 to vector<1024x1024xf32>
    %gt3A_69 = arith.cmpf ogt, %div3A, %gt3A_68 : vector<1024x1024xf32>
    %lt3A_70 = vector.broadcast %iota3A_0 : vector<1024x1xi32> to vector<1024x1024xi32>
    %lt3A_71 = vector.broadcast %iota3A : vector<1x1024xi32> to vector<1024x1024xi32>
    %lt3A_72 = arith.cmpi slt, %lt3A_70, %lt3A_71 : vector<1024x1024xi32>
    %and3A_73 = arith.andi %gt3A_69, %lt3A_72 : vector<1024x1024xi1>
    %convert_element_type3A_74 = arith.extui %and3A_73 : vector<1024x1024xi1> to vector<1024x1024xi32>
    %convert_element_type3A_75 = arith.sitofp %convert_element_type3A_74 : vector<1024x1024xi32> to vector<1024x1024xf32>
    %dot_general3A_76 = arith.constant dense<0.000000e+00> : vector<1024x1xf32>
    %dot_general3A_77 = tpu.matmul %convert_element_type3A_75, %convert_element_type3A_4, %dot_general3A_76 {dimension_numbers = #tpu.dot_dimension_numbers<[0], [0], [1], [1], [0, 1, 1, 1], [], []>, transpose_lhs_hint = false} : vector<1024x1024xf32>, vector<1024x1xf32>, vector<1024x1xf32> -> vector<1024x1xf32>
    %eq3A = arith.constant 0.000000e+00 : f32
    %eq3A_78 = vector.broadcast %eq3A : f32 to vector<1024x1xf32>
    %eq3A_79 = arith.cmpf oeq, %dot_general3A_77, %eq3A_78 : vector<1024x1xf32>
    %convert_element_type3A_80 = arith.extui %eq3A_79 : vector<1024x1xi1> to vector<1024x1xi32>
    %convert_element_type3A_81 = arith.sitofp %convert_element_type3A_80 : vector<1024x1xi32> to vector<1024x1xf32>
    %mul3A_82 = arith.mulf %convert_element_type3A_4, %convert_element_type3A_81 : vector<1024x1xf32>
    %while3A:2 = scf.while (%while3A_155 = %convert_element_type3A_4, %while3A_156 = %mul3A_82) : (vector<1024x1xf32>, vector<1024x1xf32>) -> (vector<1024x1xf32>, vector<1024x1xf32>) {
      %ne3A = arith.cmpf one, %while3A_155, %while3A_156 : vector<1024x1xf32>
      %reduce_or3A = arith.constant 1.000000e+00 : f32
      %reduce_or3A_157 = arith.constant 0.000000e+00 : f32
      %reduce_or3A_158 = vector.broadcast %reduce_or3A : f32 to vector<1024x1xf32>
      %reduce_or3A_159 = vector.broadcast %reduce_or3A_157 : f32 to vector<1024x1xf32>
      %reduce_or3A_160 = arith.select %ne3A, %reduce_or3A_158, %reduce_or3A_159 : vector<1024x1xi1>, vector<1024x1xf32>
      %reduce_or3A_161 = vector.shape_cast %reduce_or3A_160 : vector<1024x1xf32> to vector<1x1024x1xf32>
      %reduce_or3A_162 = arith.constant dense<0xFF800000> : vector<1xf32>
      %reduce_or3A_163 = vector.multi_reduction <maximumf>, %reduce_or3A_161, %reduce_or3A_162 [1, 2] : vector<1x1024x1xf32> to vector<1xf32>
      %reduce_or3A_164 = vector.shape_cast %reduce_or3A_163 : vector<1xf32> to vector<1x1x1xf32>
      %reduce_or3A_165 = vector.extract %reduce_or3A_164[0, 0, 0] : f32 from vector<1x1x1xf32>
      %reduce_or3A_166 = arith.constant 0.000000e+00 : f32
      %reduce_or3A_167 = arith.cmpf ogt, %reduce_or3A_165, %reduce_or3A_166 : f32
      scf.condition(%reduce_or3A_167) %while3A_155, %while3A_156 : vector<1024x1xf32>, vector<1024x1xf32>
    } do {
    ^bb0(%while3A_155: vector<1024x1xf32>, %while3A_156: vector<1024x1xf32>):
      %dot_general3A_157 = arith.constant dense<0.000000e+00> : vector<1024x1xf32>
      %dot_general3A_158 = tpu.matmul %convert_element_type3A_75, %while3A_156, %dot_general3A_157 {dimension_numbers = #tpu.dot_dimension_numbers<[0], [0], [1], [1], [0, 1, 1, 1], [], []>, transpose_lhs_hint = false} : vector<1024x1024xf32>, vector<1024x1xf32>, vector<1024x1xf32> -> vector<1024x1xf32>
      %eq3A_159 = arith.constant 0.000000e+00 : f32
      %eq3A_160 = vector.broadcast %eq3A_159 : f32 to vector<1024x1xf32>
      %eq3A_161 = arith.cmpf oeq, %dot_general3A_158, %eq3A_160 : vector<1024x1xf32>
      %convert_element_type3A_162 = arith.extui %eq3A_161 : vector<1024x1xi1> to vector<1024x1xi32>
      %convert_element_type3A_163 = arith.sitofp %convert_element_type3A_162 : vector<1024x1xi32> to vector<1024x1xf32>
      %mul3A_164 = arith.mulf %convert_element_type3A_4, %convert_element_type3A_163 : vector<1024x1xf32>
      scf.yield %while3A_156, %mul3A_164 : vector<1024x1xf32>, vector<1024x1xf32>
    }
    %dot_general3A_83 = arith.constant dense<0.000000e+00> : vector<1x1024xf32>
    %dot_general3A_84 = tpu.matmul %while3A#1, %get3A_11, %dot_general3A_83 {dimension_numbers = #tpu.dot_dimension_numbers<[0], [0], [1], [1], [0, 1, 1, 1], [], []>, transpose_lhs_hint = false} : vector<1024x1xf32>, vector<1024x1024xf32>, vector<1x1024xf32> -> vector<1x1024xf32>
    %slice3A_85 = vector.extract_strided_slice %mul3A_15 {offsets = [0, 4], sizes = [1024, 1], strides = [1, 1]} : vector<1024x128xf32> to vector<1024x1xf32>
    %gt3A_86 = arith.constant 5.000000e-02 : f32
    %gt3A_87 = vector.broadcast %gt3A_86 : f32 to vector<1024x1xf32>
    %gt3A_88 = arith.cmpf ogt, %slice3A_85, %gt3A_87 : vector<1024x1xf32>
    %convert_element_type3A_89 = arith.extui %gt3A_88 : vector<1024x1xi1> to vector<1024x1xi32>
    %convert_element_type3A_90 = arith.sitofp %convert_element_type3A_89 : vector<1024x1xi32> to vector<1024x1xf32>
    %mul3A_91 = arith.mulf %slice3A_85, %convert_element_type3A_90 : vector<1024x1xf32>
    %slice3A_92 = vector.extract_strided_slice %add3A_28 {offsets = [4, 0], sizes = [1, 1024], strides = [1, 1]} : vector<128x1024xf32> to vector<1x1024xf32>
    %gt3A_93 = arith.constant 5.000000e-02 : f32
    %gt3A_94 = vector.broadcast %gt3A_93 : f32 to vector<1x1024xf32>
    %gt3A_95 = arith.cmpf ogt, %slice3A_92, %gt3A_94 : vector<1x1024xf32>
    %convert_element_type3A_96 = arith.extui %gt3A_95 : vector<1x1024xi1> to vector<1x1024xi32>
    %convert_element_type3A_97 = arith.sitofp %convert_element_type3A_96 : vector<1x1024xi32> to vector<1x1024xf32>
    %mul3A_98 = arith.mulf %slice3A_92, %convert_element_type3A_97 : vector<1x1024xf32>
    %mul3A_99 = arith.mulf %mul3A_91, %while3A#1 : vector<1024x1xf32>
    %sub3A_100 = arith.constant 1.000000e+00 : f32
    %sub3A_101 = vector.broadcast %sub3A_100 : f32 to vector<1024x1xf32>
    %sub3A_102 = arith.subf %sub3A_101, %convert_element_type3A_4 : vector<1024x1xf32>
    %sub3A_103 = arith.subf %mul3A_99, %sub3A_102 : vector<1024x1xf32>
    %mul3A_104 = arith.mulf %mul3A_98, %dot_general3A_84 : vector<1x1024xf32>
    %sub3A_105 = arith.constant 1.000000e+00 : f32
    %sub3A_106 = vector.broadcast %sub3A_105 : f32 to vector<1x1024xf32>
    %sub3A_107 = arith.subf %sub3A_106, %convert_element_type3A_9 : vector<1x1024xf32>
    %sub3A_108 = arith.subf %mul3A_104, %sub3A_107 : vector<1x1024xf32>
    %gt3A_109 = vector.broadcast %sub3A_108 : vector<1x1024xf32> to vector<1024x1024xf32>
    %gt3A_110 = vector.broadcast %sub3A_103 : vector<1024x1xf32> to vector<1024x1024xf32>
    %gt3A_111 = arith.cmpf ogt, %gt3A_109, %gt3A_110 : vector<1024x1024xf32>
    %convert_element_type3A_112 = arith.extui %gt3A_111 : vector<1024x1024xi1> to vector<1024x1024xi32>
    %convert_element_type3A_113 = arith.sitofp %convert_element_type3A_112 : vector<1024x1024xi32> to vector<1024x1024xf32>
    %eq3A_114 = vector.broadcast %sub3A_108 : vector<1x1024xf32> to vector<1024x1024xf32>
    %eq3A_115 = vector.broadcast %sub3A_103 : vector<1024x1xf32> to vector<1024x1024xf32>
    %eq3A_116 = arith.cmpf oeq, %eq3A_114, %eq3A_115 : vector<1024x1024xf32>
    %lt3A_117 = vector.broadcast %iota3A : vector<1x1024xi32> to vector<1024x1024xi32>
    %lt3A_118 = vector.broadcast %iota3A_0 : vector<1024x1xi32> to vector<1024x1024xi32>
    %lt3A_119 = arith.cmpi slt, %lt3A_117, %lt3A_118 : vector<1024x1024xi32>
    %and3A_120 = arith.andi %eq3A_116, %lt3A_119 : vector<1024x1024xi1>
    %convert_element_type3A_121 = arith.extui %and3A_120 : vector<1024x1024xi1> to vector<1024x1024xi32>
    %convert_element_type3A_122 = arith.sitofp %convert_element_type3A_121 : vector<1024x1024xi32> to vector<1024x1024xf32>
    %add3A_123 = arith.addf %convert_element_type3A_113, %convert_element_type3A_122 : vector<1024x1024xf32>
    %dot_general3A_124 = arith.constant dense<0.000000e+00> : vector<1024x1xf32>
    %dot_general3A_125 = tpu.matmul %add3A_123, %broadcast_in_dim3A_1, %dot_general3A_124 {dimension_numbers = #tpu.dot_dimension_numbers<[1], [0], [0], [1], [0, 0, 1, 1], [], []>, transpose_lhs_hint = false} : vector<1024x1024xf32>, vector<1024x1xf32>, vector<1024x1xf32> -> vector<1024x1xf32>
    %iota3A_126 = tpu.iota {dimensions = array<i32: 1>} : vector<1x128xi32>
    %convert_element_type3A_127 = arith.sitofp %iota3A_126 : vector<1x128xi32> to vector<1x128xf32>
    %eq3A_128 = vector.broadcast %dot_general3A_125 : vector<1024x1xf32> to vector<1024x128xf32>
    %eq3A_129 = vector.broadcast %convert_element_type3A_127 : vector<1x128xf32> to vector<1024x128xf32>
    %eq3A_130 = arith.cmpf oeq, %eq3A_128, %eq3A_129 : vector<1024x128xf32>
    %convert_element_type3A_131 = arith.extui %eq3A_130 : vector<1024x128xi1> to vector<1024x128xi32>
    %convert_element_type3A_132 = arith.sitofp %convert_element_type3A_131 : vector<1024x128xi32> to vector<1024x128xf32>
    %iota3A_133 = tpu.iota {dimensions = array<i32: 1>} : vector<1x128xi32>
    %lt3A_134 = arith.constant 4 : i32
    %lt3A_135 = vector.broadcast %lt3A_134 : i32 to vector<1x128xi32>
    %lt3A_136 = arith.cmpi slt, %iota3A_133, %lt3A_135 : vector<1x128xi32>
    %convert_element_type3A_137 = arith.extui %lt3A_136 : vector<1x128xi1> to vector<1x128xi32>
    %convert_element_type3A_138 = arith.sitofp %convert_element_type3A_137 : vector<1x128xi32> to vector<1x128xf32>
    %mul3A_139 = vector.broadcast %convert_element_type3A_138 : vector<1x128xf32> to vector<1024x128xf32>
    %mul3A_140 = arith.mulf %mul3A_15, %mul3A_139 : vector<1024x128xf32>
    %mul3A_141 = arith.mulf %mul3A_91, %while3A#1 : vector<1024x1xf32>
    %eq3A_142 = arith.constant 4 : i32
    %eq3A_143 = vector.broadcast %eq3A_142 : i32 to vector<1x128xi32>
    %eq3A_144 = arith.cmpi eq, %iota3A_133, %eq3A_143 : vector<1x128xi32>
    %convert_element_type3A_145 = arith.extui %eq3A_144 : vector<1x128xi1> to vector<1x128xi32>
    %convert_element_type3A_146 = arith.sitofp %convert_element_type3A_145 : vector<1x128xi32> to vector<1x128xf32>
    %mul3A_147 = vector.broadcast %mul3A_141 : vector<1024x1xf32> to vector<1024x128xf32>
    %mul3A_148 = vector.broadcast %convert_element_type3A_146 : vector<1x128xf32> to vector<1024x128xf32>
    %mul3A_149 = arith.mulf %mul3A_147, %mul3A_148 : vector<1024x128xf32>
    %add3A_150 = arith.addf %mul3A_140, %mul3A_149 : vector<1024x128xf32>
    %dot_general3A_151 = arith.constant dense<0.000000e+00> : vector<128x128xf32>
    %dot_general3A_152 = tpu.matmul %convert_element_type3A_132, %add3A_150, %dot_general3A_151 {dimension_numbers = #tpu.dot_dimension_numbers<[0], [0], [1], [1], [0, 1, 1, 1], [], []>, precision = #tpu.contract_precision<fp32>, transpose_lhs_hint = false} : vector<1024x128xf32>, vector<1024x128xf32>, vector<128x128xf32> -> vector<128x128xf32>
    %swap3A = arith.constant 0 : index
    %swap3A_153 = arith.constant 0 : index
    %swap3A_154 = vector.load %arg2[%swap3A, %swap3A_153] : memref<128x128xf32, #tpu.memory_space<vmem>>, vector<128x128xf32>
    tpu.vector_store %arg2[%swap3A, %swap3A_153], %dot_general3A_152 {strides = array<i32>} : memref<128x128xf32, #tpu.memory_space<vmem>>, vector<128x128xf32>,
    return
  }
}

</mosaic_0001>

<sc_bundles>
// kernel: kernel.5.cloned.1.call-start
scs
__scs_entry_jumppad:
0x0: {  	(pc) =	sbr.rel $0x88, $3  }
0x1: {  	(tag) =	ssettag $0x0;
	lr =	simm.s32 $0x1  }
0x2: {  	[smem:$0x3F9F] =	sst lr;
	_ =	strace $0xD0000000  }
0x3: {  	_ = 	snop  }
0x4: {  	_ = 	snop  }
0x5: {  	_ = 	snop  }
0x6: {  	_ = 	snop  }
0x7: {  	_ = 	snop  }
__scs_overlays_trampoline_lowered:
0x8: {  	[smem:$0x3FAE] =	sst s0  }
0x9: {  	[smem:$0x3FAF] =	sst s1  }
0xa: {  	[smem:$0x3FB0] =	sst s2  }
0xb: {  	[smem:$0x3FB1] =	sst s3  }
0xc: {  	[smem:$0x3FB2] =	sst s4  }
0xd: {  	[smem:$0x3FB3] =	sst s5  }
0xe: {  	[smem:$0x3FB4] =	sst s6  }
0xf: {  	[smem:$0x3FB5] =	sst s7  }
0x10: {  	[smem:$0x3FB6] =	sst s8  }
0x11: {  	[smem:$0x3FB7] =	sst s9;
	s0 =	simm.s32 @!p0 $0x0  }
0x12: {  	s1 =	sld [smem:$0x3F9D];
	s0 =	simm.s32 @p0 $0x1  }
0x13: {  	[smem:$0x3FB8] =	sst s0;
	s0 =	simm.s32 @!p1 $0x0  }
0x14: {  	s2 =	sld [smem:$0x3F9C];
	s0 =	simm.s32 @p1 $0x1  }
0x15: {  	[smem:$0x3FB9] =	sst s0;
	s0 =	simm.s32 @!p2 $0x0  }
0x16: {  	s3 =	sld [smem:$0x3FDB];
	s0 =	simm.s32 @p2 $0x1  }
0x17: {  	s4 =	simm.s32 $0x1BF5;
	[smem:$0x3FBB] =	sst s0  }
0x18: {  	s0 =	sld [smem:$0x3F9E];
	_ =	swait.ge [sflag:s4], $0x0  }
0x19: {  	s7 =	sld [smem:$0x3F9F]  }
0x1a: {  	s8 =	sadd.s32 $0xFFFFE003, lr  }
0x1b: {  	s9 =	sadd.s32 $0xFFFFFEF7, lr;
	s5 =	simm.s32 $0xFFFFFFFF;
	p2 =	slt.u32 s8, $0xFFFFF086  }
0x1c: {  	p1 =	slt.u32 s9, $0xF7A;
	s5 =	simm.s32 @!p2 $0x0  }
0x1d: {  	s5 =	simm.s32 @p1 $0x1;
	p0 =	seq.s32 s7, s2  }
0x1e: {  	s7 =	smul.u32 @!p0 $0xF7A, s2;
	p2 =	seq.s32 @!p0 s5, $0x0  }
0x1f: {  	s9 =	smul.u32 $0xF7A, s1;
	s8 =	simm.s32 @!p0 $0x1BF5;
	p2 =	por !p2, p0  }
0x20: {  	[sflag:s8] =	ssyncset.s32 @!p0 $0xFFFFF086;
	s6 =	sadd.s32 @!p0 s3, s7;
	s7 =	simm.s32 @!p0 $0x108  }
0x21: {  	s3 =	sadd.s32 s3, s9;
	s6 =	sadd.s32 @!p0 $0x88, s6;
	s7 =	simm.s32 @p2 $0x1082  }
0x22: {  	[simem:s7], [sflag:s8] =	dma.local @!p0 [hbm:s6], $0xF7A  }
0x23: {  	s9 =	sor.u32 $0xD0000000, s2;
	s6 =	simm.s32 $0x108;
	_ =	swait.ge @!p0 [sflag:s8], $0x0  }
0x24: {  	s3 =	sadd.s32 $0x88, s3;
	s6 =	simm.s32 @!p1 $0x1082;
	[sflag:s4] =	ssyncset.s32 $0xFFFFF086  }
0x25: {  	[simem:s6], [sflag:s4] =	dma.local [hbm:s3], $0xF7A  }
0x26: {  	[smem:$0x3F9F] =	sst s1;
	(tag) =	ssettag s2;
	_ =	strace s9  }
0x27: {  	s1 =	sld [smem:$0x3FAF]  }
0x28: {  	s2 =	sld [smem:$0x3FB0]  }
0x29: {  	s4 =	sld [smem:$0x3FB2]  }
0x2a: {  	p0 =	seq.s32 s5, $0x0;
	s5 =	sld [smem:$0x3FB3]  }
0x2b: {  	s6 =	sld [smem:$0x3FB4]  }
0x2c: {  	s7 =	sld [smem:$0x3FB5]  }
0x2d: {  	s3 =	simm.s32 $0x108;
	s8 =	sld [smem:$0x3FB6]  }
0x2e: {  	s3 =	simm.s32 @!p0 $0x1082;
	s9 =	sld [smem:$0x3FB7]  }
0x2f: {  	lr =	sadd.s32 s0, s3;
	s0 =	sld [smem:$0x3FAE]  }
0x30: {  	s3 =	sld [smem:$0x3FB1]  }
0x31: {  	[smem:$0x3FBA] =	sst s10  }
0x32: {  	s10 =	sld [smem:$0x3FB8];
	_ =	sdelay $0x3  }
0x33: {  	p0 =	seq.s32 s10, $0x1;
	s10 =	sld [smem:$0x3FBA];
	_ =	sdelay $0x3  }
0x34: {  	[smem:$0x3FBA] =	sst s10  }
0x35: {  	s10 =	sld [smem:$0x3FB9];
	_ =	sdelay $0x3  }
0x36: {  	p1 =	seq.s32 s10, $0x1;
	s10 =	sld [smem:$0x3FBA];
	_ =	sdelay $0x3  }
0x37: {  	[smem:$0x3FBA] =	sst s10  }
0x38: {  	s10 =	sld [smem:$0x3FBB]  }
0x39: {  	_ = 	snop;
	(pc) =	sbr.ind lr, $3  }
0x3a: {  	_ = 	snop  }
0x3b: {  	_ = 	snop  }
0x3c: {  	p2 =	seq.s32 s10, $0x1;
	s10 =	sld [smem:$0x3FBA]  }
0x3d: {  	_ =	shalt  }
0x3e: {  	_ =	shalt  }
0x3f: {  	_ =	shalt  }
0x40: {  	_ =	shalt  }
0x41: {  	_ =	shalt  }
0x42: {  	_ =	shalt  }
0x43: {  	_ =	shalt  }
0x44: {  	_ =	shalt  }
0x45: {  	_ =	shalt  }
0x46: {  	_ =	shalt  }
0x47: {  	_ =	shalt  }
0x48: {  	_ =	shalt  }
0x49: {  	_ =	shalt  }
0x4a: {  	_ =	shalt  }
0x4b: {  	_ =	shalt  }
0x4c: {  	_ =	shalt  }
0x4d: {  	_ =	shalt  }
0x4e: {  	_ =	shalt  }
0x4f: {  	_ =	shalt  }
0x50: {  	_ =	shalt  }
0x51: {  	_ =	shalt  }
0x52: {  	_ =	shalt  }
0x53: {  	_ =	shalt  }
0x54: {  	_ =	shalt  }
0x55: {  	_ =	shalt  }
0x56: {  	_ =	shalt  }
0x57: {  	_ =	shalt  }
0x58: {  	_ =	shalt  }
0x59: {  	_ =	shalt  }
0x5a: {  	_ =	shalt  }
0x5b: {  	_ =	shalt  }
0x5c: {  	_ =	shalt  }
0x5d: {  	_ =	shalt  }
0x5e: {  	_ =	shalt  }
0x5f: {  	_ =	shalt  }
0x60: {  	_ =	shalt  }
0x61: {  	_ =	shalt  }
0x62: {  	_ =	shalt  }
0x63: {  	_ =	shalt  }
0x64: {  	_ =	shalt  }
0x65: {  	_ =	shalt  }
0x66: {  	_ =	shalt  }
0x67: {  	_ =	shalt  }
0x68: {  	_ =	shalt  }
0x69: {  	_ =	shalt  }
0x6a: {  	_ =	shalt  }
0x6b: {  	_ =	shalt  }
0x6c: {  	_ =	shalt  }
0x6d: {  	_ =	shalt  }
0x6e: {  	_ =	shalt  }
0x6f: {  	_ =	shalt  }
0x70: {  	_ =	shalt  }
0x71: {  	_ =	shalt  }
0x72: {  	_ =	shalt  }
0x73: {  	_ =	shalt  }
0x74: {  	_ =	shalt  }
0x75: {  	_ =	shalt  }
0x76: {  	_ =	shalt  }
0x77: {  	_ =	shalt  }
0x78: {  	_ =	shalt  }
0x79: {  	_ =	shalt  }
0x7a: {  	_ =	shalt  }
0x7b: {  	_ =	shalt  }
0x7c: {  	_ =	shalt  }
0x7d: {  	_ =	shalt  }
0x7e: {  	_ =	shalt  }
0x7f: {  	_ =	shalt  }
0x80: {  	_ =	shalt  }
0x81: {  	_ =	shalt  }
0x82: {  	_ =	shalt  }
0x83: {  	_ =	shalt  }
0x84: {  	_ =	shalt  }
0x85: {  	_ =	shalt  }
0x86: {  	_ =	shalt  }
0x87: {  	_ =	shalt  }
.Lfunc_end0:
.L_simem_size_0:
called_computation_lowered:
.L_overlay_start_0:
0x88: {  	s2 =	sld [smem:$0x3FD9]  }
0x89: {  	s3 =	sld [smem:$0x3FFE];
	_ =	sdelay $0x1  }
0x8a: {  	s1 =	srdreg.scid  }
0x8b: {  	s0 =	sand.u32 $0x1, s1  }
0x8c: {  	s17 =	sshll.u32 s0, $0xA;
	s2 =	sadd.s32 s3, s2  }
0x8d: {  	s2 =	sadd.s32 s2, s17  }
0x8e: {  	[smem:$0x3FC6] =	sst s2  }
0x8f: {  	_ = 	snop  }
0x90: {  	s2 =	sld [smem:$0x3FD0];
	(tm) =	ssettm $0x1  }
0x91: {  	s18 =	sld [smem:$0x3FFB];
	_ =	sdelay $0x3  }
0x92: {  	_ =	strace s18  }
0x93: {  	s3 =	sld [smem:$0x3FFC];
	_ =	sdelay $0x3  }
0x94: {  	_ =	strace s3  }
0x95: {  	s3 =	sld [smem:$0x3FFD];
	_ =	sdelay $0x3  }
0x96: {  	_ =	strace s3  }
0x97: {  	_ =	strace $0x8FFFFFFF  }
0x98: {  	s19 =	sld [smem:$0x3FDB];
	_ =	sdelay $0x1  }
0x99: {  	s4 =	simm.s32 $_scs_section_size  }
0x9a: {  	s5 =	simm.s32 $_size__tile_overlayer_lowered;
	s6 =	simm.s32 $_tile_overlayer_lowered  }
0x9b: {  	s22 =	simm.s32 $0x1BFF;
	s21 =	sshll.u32 s6, $0x1;
	s3 =	sadd.s32 s4, s19  }
0x9c: {  	s7 =	simm.s32 $0x0;
	s20 =	sshll.u32 s5, $0x1;
	s5 =	sadd.s32 s21, s3  }
0x9d: {  	[timem:s7], [sflag:s22] =	dma.local [hbm:s5], s20  }
0x9e: {  	_ =	swait.ge [sflag:s22], s20  }
0x9f: {  	s4 =	ssub.s32 $0x0, s20;
	[sflag:s22] =	ssyncset.done $0x0  }
0xa0: {  	[sflag:s22] =	ssyncadd.s32 s4;
	_ =	sdelay $0x1  }
0xa1: {  	s23 =	simm.s32 $0x1B8B  }
0xa2: {  	_ =	swait.ge [sflag:s23], $0x1  }
0xa3: {  	[sflag:s23] =	ssyncset.done $0x0  }
0xa4: {  	s25 =	simm.s32 $0x1B8E;
	s24 =	sld [smem:$0x3FFE];
	[sflag:s23] =	ssyncadd.s32 $0xFFFFFFFF  }
0xa5: {  	s26 =	simm.s32 $execute0_lowered;
	[smem:$0x3FD2] =	sst s25  }
0xa6: {  	s5 =	sshll.u32 s26, $0x1;
	_ =	strace $0x80000046;
	[dreg:$0x1] =	wrdreg $0xFFFFFFFF  }
0xa7: {  	s28 =	simm.s32 $_size_execute0_lowered;
	s3 =	sadd.s32 s3, s5;
	[dreg:$0x0] =	wrdreg $0x0  }
0xa8: {  	s5 =	sshll.u32 s28, $0x1;
	[dreg:$0x2] =	wrdreg s3  }
0xa9: {  	[dreg:$0x3] =	wrdreg s5  }
0xaa: {  	[dreg:$0x4] =	wrdreg $0xC0  }
0xab: {  	_ =	task [dreg:s7], $0x5FFFF  }
0xac: {  	[dreg:$0x1] =	wrdreg $0xFFFFFFFF  }
0xad: {  	[dreg:$0x0] =	wrdreg $0x60  }
0xae: {  	[dreg:$0x2] =	wrdreg s24  }
0xaf: {  	[dreg:$0x3] =	wrdreg s2  }
0xb0: {  	[dreg:$0x4] =	wrdreg $0x9  }
0xb1: {  	_ =	task.clear_ibuf [dreg:s7], $0x5FFFF;
	_ =	strace $0x90000046  }
0xb2: {  	s29 =	simm.s32 $0x9;
	_ =	strace $0x80000048  }
0xb3: {  	_ =	swait.ge [sflag:s29], $0x1  }
0xb4: {  	[sflag:s29] =	ssyncadd.s32 $0xFFFFFFFF  }
0xb5: {  	_ =	strace $0x90000048  }
0xb6: {  	_ =	sfence  }
0xb7: {  	s30 =	sld [smem:$0x0];
	_ =	sdelay $0x2  }
0xb8: {  	s31 =	sshll.u32 s1, $0xD;
	s1 =	sshrl.u32 s1, $0x2  }
0xb9: {  	s3 =	sand.u32 $0x4000, s31;
	s1 =	sadd.s32 s1, s30  }
0xba: {  	s0 =	sor.u32 s3, s0;
	s1 =	sshll.u32 s1, $0x11  }
0xbb: {  	s0 =	sor.u32 s1, s0  }
0xbc: {  	s0 =	sadd.s32 $0x8F2B, s0  }
0xbd: {  	[sflag:s0] =	ssyncadd.remote.s32 $0x1  }
0xbe: {  	_ =	sfence.sel $0xFFFF  }
0xbf: {  	[dreg:$0x0] =	wrdreg $0xFFFFFFFF;
	(pc) =	sbr.abs _section_cstart, $3  }
0xc0: {  	[dreg:$0x1] =	wrdreg $0xFFFFFFFF  }
0xc1: {  	_ =	task.clear_ibuf [dreg:s7], $0x2FFFF;
	_ =	strace $0x9FFFFFFF  }
0xc2: {  	(tm) =	ssettm $0x7FFFFFFF  }
0xc3: {  	_ =	shalt  }
tec
execute0_lowered:
.L_overlay_start_1:
0x0: {  	(tag) =	ssettag $0x1  }
0x1: {  	s1 =	srdreg.scid;
	s9 =	rddreg [dreg:$0x0]  }
0x2: {  	s0 =	stileid.u32;
	s3 =	rddreg [dreg:$0x1]  }
0x3: {  	s2 =	simm.s32 $0x0;
	s7 =	simm.s32 $0x80;
	s6 =	sand.u32 $0x1, s1  }
0x4: {  	s4 =	sshll.u32 s0, $0x6;
	s1 =	rddreg [dreg:$0x2];
	s5 =	sshll.u32 s6, $0x5  }
0x5: {  	s8 =	simm.s32 $0x1;
	[smem:$0x7FF] =	sst s2;
	s10 =	sor.u32 s5, s4  }
0x6: {  	_ =	strace $0x80000047;
	s11 =	ssub.s32 $0x2, s6;
	s4 =	sshrl.u32 s10, $0x3  }
0x7: {  	s6 =	simm.s32 $0x20;
	s4 =	sadd.s32 s3, s4;
	s3 =	simm.s32 $0x2  }
0x8: {  	[tilespmem:s2], [sflag:$0x2] =	stream.linear.gather [hbm4b:s4+s2], $0x20, $0x38;
	[tilespmem:$0x1080] =	vst v63  }
0x9: {  	s5 =	sadd.s32 $0x400, s9;
	s12 =	sshrl.u32 s11, $0x1;
	_ =	swait.ge [sflag:s3], $0x20  }
0xa: {  	s10 =	sshll.u32 s10, $0x4;
	s31 =	ssub.s32 s11, s12;
	[sflag:s3] =	ssyncset.done $0x0  }
0xb: {  	s9 =	sadd.s32 s10, s9;
	s10 =	smax.u32 s31, $0x1;
	[sflag:s3] =	ssyncadd.s32 $0xFFFFFFE0  }
0xc: {  	[tilespmem:s7], [sflag:$0x1] =	stream.indirect.gather [hbm4b:s5+s6], $0x80, s2, s6, $0xb8;
	[tilespmem:$0x1080] =	vst v63  }
0xd: {  	p0 =	sne.s32 s10, $0x1;
	_ =	swait.ge [sflag:s8], $0x1000  }
.Ltmp0:
0xe: {  	[sflag:s8] =	ssyncset.done $0x0;
	(pc) =	sbr.rel @!p0 .LBB2_2-.Ltmp0, $4  }
0xf: {  	s9 =	sadd.s32 $0x14400, s9;
	[sflag:s8] =	ssyncadd.s32 $0xFFFFF000  }
0x10: {  	[hbm4b:s9+s2] =	stream.linear.scatter [tilespmem:s7], [sflag:$0x2], $0x1000, $0x38;
	[tilespmem:$0x1080] =	vst v63  }
0x11: {  	_ =	swait.ge [sflag:s3], $0x1000  }
0x12: {  	s10 =	sadd.s32 $0xFFFFFFFF, s10;
	[sflag:s3] =	ssyncset.done $0x0  }
.LBB2_1:
0x13: {  	p0 =	sne.s32 s10, $0x1;
	s10 =	sadd.s32 $0xFFFFFFFF, s10;
	[sflag:s3] =	ssyncadd.s32 $0xFFFFF000  }
0x14: {  	[tilespmem:s2], [sflag:$0x2] =	stream.linear.gather [hbm4b:s4+s2], $0x20, $0x38;
	[tilespmem:$0x1080] =	vst v63  }
0x15: {  	_ =	swait.ge [sflag:s3], $0x20  }
0x16: {  	[sflag:s3] =	ssyncset.done $0x0  }
0x17: {  	[sflag:s3] =	ssyncadd.s32 $0xFFFFFFE0  }
0x18: {  	[tilespmem:s7], [sflag:$0x1] =	stream.indirect.gather [hbm4b:s5+s6], $0x80, s2, s6, $0xb8;
	[tilespmem:$0x1080] =	vst v63  }
0x19: {  	_ =	swait.ge [sflag:s8], $0x1000  }
.Ltmp1:
0x1a: {  	[sflag:s8] =	ssyncset.done $0x0;
	(pc) =	sbr.rel @p0 .LBB2_1-.Ltmp1, $4  }
0x1b: {  	[sflag:s8] =	ssyncadd.s32 $0xFFFFF000  }
0x1c: {  	[hbm4b:s9+s2] =	stream.linear.scatter [tilespmem:s7], [sflag:$0x2], $0x1000, $0x38;
	[tilespmem:$0x1080] =	vst v63  }
0x1d: {  	_ =	swait.ge [sflag:s3], $0x1000  }
0x1e: {  	[sflag:s3] =	ssyncset.done $0x0  }
.LBB2_2:
0x1f: {  	[sflag:s3] =	ssyncadd.s32 $0xFFFFF000  }
0x20: {  	_ =	sfence.sel $0x180000  }
0x21: {  	[bflag:$0x0] =	sbarrier.arrive $0xFFFF  }
0x22: {  	p0 =	sne.s32 s0, $0x0;
	_ =	strace $0x90000047  }
0x23: {  	s0 =	sadd.s32 @!p0 $0x100000, s1;
	[bflag:$0x2] =	sbarrier.arrive $0xFFFF  }
0x24: {  	[sflag:s0] =	ssyncadd.tile.s32 @!p0 $0x1;
	_ =	shalt  }
.Lfunc_end2:
_tile_overlayer_lowered:
.L_overlay_start_2:
0x25: {  	(tag) =	ssettag $0x2  }
0x26: {  	s0 =	rddreg [dreg:$0x0];
	s2 =	stileid.u32  }
0x27: {  	s1 =	rddreg [dreg:$0x1];
	p0 =	sne.s32 s2, $0x0  }
0x28: {  	s3 =	rddreg [dreg:$0x2];
	[bflag:$0x3] =	sbarrier.arrive $0xFFFF;
	s2 =	simm.s32 @!p0 $0x1C02  }
0x29: {  	[timem:s3], [sflag:s2] =	dma.local @!p0 [hbm:s0], s1  }
0x2a: {  	s0 =	simm.s32 @!p0 $0x2  }
0x2b: {  	_ =	swait.ge @!p0 [sflag:s0], s1  }
0x2c: {  	s1 =	ssub.s32 @!p0 $0x0, s1;
	[sflag:s0] =	ssyncset.done @!p0 $0x0  }
0x2d: {  	[sflag:s0] =	ssyncadd.s32 @!p0 s1  }
0x2e: {  	[bflag:$0x3] =	sbarrier.arrive $0xFFFF  }
0x2f: {  	_ =	shalt  }

</sc_bundles>
